<compile_context>
chip_gen: v7x
topology: tpu7x:2x2x1
jax: 0.10.2.dev20260603
libtpu: 0.0.44.dev20260713+nightly
codegen_flags: <defaults>
</compile_context>

<pallas_src>
import functools
import math

import jax
import jax.numpy as jnp
from jax import lax
from jax.experimental import pallas as pl
from jax.experimental.pallas import tpu as pltpu
from jax.experimental.pallas import tpu_sc as plsc

VOCAB = 1000000
D_MODEL = 64
SCALE = math.sqrt(D_MODEL)

NUM_CORES = 2
NUM_SUBCORES = 16
NW = NUM_CORES * NUM_SUBCORES

ROWS = 4096
SEQ = 200
BBLK = ROWS // NW
NBUF = 4


def _sc_embedding_lookup(xt, emb_weight):
    mesh = plsc.VectorSubcoreMesh(core_axis_name="c", subcore_axis_name="s")

    scratch = (
        [pltpu.VMEM((SEQ, BBLK), jnp.int32)]
        + [pltpu.VMEM((BBLK, D_MODEL), jnp.float32) for _ in range(NBUF)]
        + [pltpu.VMEM((8, 8 * BBLK), jnp.float32) for _ in range(NBUF)]
        + [pltpu.SemaphoreType.DMA for _ in range(2 * NBUF + 1)]
    )

    @functools.partial(
        pl.kernel,
        mesh=mesh,
        out_type=jax.ShapeDtypeStruct((SEQ, 8, NW, 8 * BBLK), jnp.float32),
        scratch_types=scratch,
        compiler_params=pltpu.CompilerParams(
            use_tc_tiling_on_sc=False, needs_layout_passes=False
        ),
    )
    def k(x_hbm, table_hbm, out_hbm, idx_v, *rest):
        gbuf = rest[0:NBUF]
        sbuf = rest[NBUF:2 * NBUF]
        gsem = rest[2 * NBUF:3 * NBUF]
        ssem = rest[3 * NBUF:4 * NBUF]
        isem = rest[4 * NBUF]

        wid = lax.axis_index("s") * NUM_CORES + lax.axis_index("c")

        lane = lax.iota(jnp.int32, 16)

        pltpu.make_async_copy(
            x_hbm.at[pl.ds(0, SEQ), pl.ds(wid * BBLK, BBLK)], idx_v, isem
        ).start()
        pltpu.make_async_copy(
            x_hbm.at[pl.ds(0, SEQ), pl.ds(0, BBLK)], idx_v, isem
        ).wait()

        def gather_start(u, b):
            pltpu.make_async_copy(
                table_hbm.at[idx_v.at[u]], gbuf[b], gsem[b]
            ).start()

        def gather_wait(b):
            pltpu.make_async_copy(
                table_hbm.at[idx_v.at[0]], gbuf[b], gsem[b]
            ).wait()

        def scatter_start(u, b):
            pltpu.make_async_copy(
                sbuf[b], out_hbm.at[u, pl.ds(0, 8), wid], ssem[b]
            ).start()

        def scatter_wait(b):
            pltpu.make_async_copy(
                sbuf[b], out_hbm.at[0, pl.ds(0, 8), 0], ssem[b]
            ).wait()

        for b in range(NBUF):
            gather_start(b, b)

        def transpose_scale(b):
            def diag(t, c):
                d0 = (t >> 4) << 4
                r = t & 15
                didx = d0 + ((lane + r) & 15)
                dovec = didx >> 3
                invec = ((didx & 7) << 7) + lane
                vs = [
                    plsc.load_gather(gbuf[b], [lane + (tb * 16), didx])
                    for tb in range(BBLK // 16)
                ]
                for tb in range(BBLK // 16):
                    plsc.store_scatter(
                        sbuf[b], [dovec, invec + (tb * 16)], vs[tb] * SCALE
                    )
                return c

            lax.fori_loop(0, (D_MODEL // 16) * 16, diag, 0, unroll=2)

        def outer(t0, carry):
            for b in range(NBUF):
                u = t0 * NBUF + b
                gather_wait(b)

                @pl.when(u >= NBUF)
                def _():
                    scatter_wait(b)

                transpose_scale(b)
                scatter_start(u, b)

                @pl.when(u + NBUF < SEQ)
                def _():
                    gather_start(u + NBUF, b)
            return carry

        lax.fori_loop(0, SEQ // NBUF, outer, 0)

        for b in range(NBUF):
            scatter_wait(b)

    return k(xt, emb_weight)


def kernel(x, emb_weight):
    out4d = _sc_embedding_lookup(x.astype(jnp.int32).T, emb_weight)
    return (
        out4d.reshape(SEQ, 8, NW, 8, BBLK)
        .transpose(2, 4, 0, 1, 3)
        .reshape(ROWS, SEQ, D_MODEL)
    )

# --- scband reference (transcript-rebuilt; emitter-appended) ---
"""Pipeline reference for scband-embeddings-7713761263756 (READ-ONLY COPY).

The authoritative reference and input builder live on the scoring server;
editing this copy changes nothing except your own understanding.
"""

import jax, jax.numpy as jnp
import numpy as np
import math

VOCAB = 1000000
D_MODEL = 64

def setup_inputs(seed: int = 0) -> dict:
    key = jax.random.key(seed)
    k1, k2 = jax.random.split(key)
    x = jax.random.randint(k1, (4096, 200), 0, VOCAB, dtype=jnp.int64 if jax.config.jax_enable_x64 else jnp.int32)
    # embedding table (learned parameter), nn.Embedding default init: N(0,1)
    emb_weight = jax.random.normal(k2, (VOCAB, D_MODEL), dtype=jnp.float32)
    return {"x": x, "emb_weight": emb_weight}

def reference(x, emb_weight):
    # Faithful translation of: self.emb(x) * math.sqrt(self.d_model)
    out = jnp.take(emb_weight, x, axis=0) * math.sqrt(D_MODEL)
    return out

if __name__ == "__main__":
    import jax
    _d = setup_inputs()
    print(jax.jit(kernel)(*tuple(_d.values())))

</pallas_src>

<mosaic_0001>
#map = affine_map<(d0, d1) -> (0, 0)>
#map1 = affine_map<(d0, d1) -> (0, 0, 0, 0)>
module attributes {stable_mosaic.version = 14 : i64} {
  func.func @k(%arg0: i32, %arg1: i32, %arg2: memref<200x4096xi32, #tpu.memory_space<hbm>>, %arg3: memref<1000000x64xf32, #tpu.memory_space<hbm>>, %arg4: memref<200x8x32x1024xf32, #tpu.memory_space<hbm>>, %arg5: memref<200x128xi32, #tpu.memory_space<vmem>>, %arg6: memref<128x64xf32, #tpu.memory_space<vmem>>, %arg7: memref<128x64xf32, #tpu.memory_space<vmem>>, %arg8: memref<128x64xf32, #tpu.memory_space<vmem>>, %arg9: memref<128x64xf32, #tpu.memory_space<vmem>>, %arg10: memref<8x1024xf32, #tpu.memory_space<vmem>>, %arg11: memref<8x1024xf32, #tpu.memory_space<vmem>>, %arg12: memref<8x1024xf32, #tpu.memory_space<vmem>>, %arg13: memref<8x1024xf32, #tpu.memory_space<vmem>>, %arg14: memref<!tpu.dma_semaphore, #tpu.memory_space<semaphore_mem>>, %arg15: memref<!tpu.dma_semaphore, #tpu.memory_space<semaphore_mem>>, %arg16: memref<!tpu.dma_semaphore, #tpu.memory_space<semaphore_mem>>, %arg17: memref<!tpu.dma_semaphore, #tpu.memory_space<semaphore_mem>>, %arg18: memref<!tpu.dma_semaphore, #tpu.memory_space<semaphore_mem>>, %arg19: memref<!tpu.dma_semaphore, #tpu.memory_space<semaphore_mem>>, %arg20: memref<!tpu.dma_semaphore, #tpu.memory_space<semaphore_mem>>, %arg21: memref<!tpu.dma_semaphore, #tpu.memory_space<semaphore_mem>>, %arg22: memref<!tpu.dma_semaphore, #tpu.memory_space<semaphore_mem>>) attributes {dimension_semantics = [#tpu.dimension_semantics<core_parallel>, #tpu.dimension_semantics<subcore_parallel>], iteration_bounds = array<i64: 2, 16>, scalar_prefetch = 0 : i64, scratch_operands = 18 : i64, tpu.core_type = #tpu.core_type<sc_vector_subcore>, window_params = [{transform_indices = #map}, {transform_indices = #map}, {transform_indices = #map1}]} {
    %mul3A = arith.constant 2 : i32
    %mul3A_0 = arith.muli %arg1, %mul3A : i32
    %add3A = arith.addi %mul3A_0, %arg0 : i32
    %iota3A = tpu.iota {dimensions = array<i32: 0>} : vector<16xi32>
    %mul3A_1 = arith.constant 128 : i32
    %mul3A_2 = arith.muli %add3A, %mul3A_1 : i32
    %dma_start3A = arith.constant 0 : i32
    %dma_start3A_3 = tpu.memref_slice %arg2[%dma_start3A, %mul3A_2] : memref<200x4096xi32, #tpu.memory_space<hbm>> -> memref<200x128xi32, #tpu.memory_space<hbm>>
    %dma_start3A_4 = arith.constant 0 : i32
    %dma_start3A_5 = tpu.memref_slice %arg2[%dma_start3A_4, %mul3A_2] : memref<200x4096xi32, #tpu.memory_space<hbm>> -> memref<200x128xi32, #tpu.memory_space<hbm>>
    tpu.enqueue_dma source(%dma_start3A_5 : memref<200x128xi32, #tpu.memory_space<hbm>>) target(%arg5 : memref<200x128xi32, #tpu.memory_space<vmem>>) target_semaphore(%arg22 : memref<!tpu.dma_semaphore, #tpu.memory_space<semaphore_mem>>)
    %dma_wait3A = arith.constant 0 : i32
    %dma_wait3A_6 = arith.constant 0 : i32
    %dma_wait3A_7 = tpu.memref_slice %arg2[%dma_wait3A, %dma_wait3A_6] : memref<200x4096xi32, #tpu.memory_space<hbm>> -> memref<200x128xi32, #tpu.memory_space<hbm>>
    %dma_wait3A_8 = arith.constant 0 : i32
    %dma_wait3A_9 = arith.constant 0 : i32
    %dma_wait3A_10 = tpu.memref_slice %arg2[%dma_wait3A_8, %dma_wait3A_9] : memref<200x4096xi32, #tpu.memory_space<hbm>> -> memref<200x128xi32, #tpu.memory_space<hbm>>
    tpu.wait_dma2 semaphore(%arg22 : memref<!tpu.dma_semaphore, #tpu.memory_space<semaphore_mem>>) src(%dma_wait3A_10 : memref<200x128xi32, #tpu.memory_space<hbm>>) dst(%arg5 : memref<200x128xi32, #tpu.memory_space<vmem>>)
    %dma_start3A_11 = arith.constant 0 : i32
    %dma_start3A_12 = arith.constant 0 : i32
    %dma_start3A_13 = tpu.memref_slice %arg5[%dma_start3A_11, %dma_start3A_12] : memref<200x128xi32, #tpu.memory_space<vmem>> -> memref<1x128xi32, #tpu.memory_space<vmem>>
    %dma_start3A_14 = tpu.memref_squeeze %dma_start3A_13 : memref<1x128xi32, #tpu.memory_space<vmem>> -> memref<128xi32, #tpu.memory_space<vmem>>
    %dma_start3A_15 = arith.constant 0 : i32
    %dma_start3A_16 = arith.constant 0 : i32
    %dma_start3A_17 = tpu.memref_slice %arg3[%dma_start3A_15, %dma_start3A_16] : memref<1000000x64xf32, #tpu.memory_space<hbm>> -> memref<1000000x64xf32, #tpu.memory_space<hbm>>
    tpu.enqueue_indirect_dma source(%dma_start3A_17 : memref<1000000x64xf32, #tpu.memory_space<hbm>>) target(%arg6 : memref<128x64xf32, #tpu.memory_space<vmem>>) offsets(%dma_start3A_14 : memref<128xi32, #tpu.memory_space<vmem>>) semaphore(%arg14 : memref<!tpu.dma_semaphore, #tpu.memory_space<semaphore_mem>>)
    %dma_start3A_18 = arith.constant 1 : i32
    %dma_start3A_19 = arith.constant 0 : i32
    %dma_start3A_20 = tpu.memref_slice %arg5[%dma_start3A_18, %dma_start3A_19] : memref<200x128xi32, #tpu.memory_space<vmem>> -> memref<1x128xi32, #tpu.memory_space<vmem>>
    %dma_start3A_21 = tpu.memref_squeeze %dma_start3A_20 : memref<1x128xi32, #tpu.memory_space<vmem>> -> memref<128xi32, #tpu.memory_space<vmem>>
    %dma_start3A_22 = arith.constant 0 : i32
    %dma_start3A_23 = arith.constant 0 : i32
    %dma_start3A_24 = tpu.memref_slice %arg3[%dma_start3A_22, %dma_start3A_23] : memref<1000000x64xf32, #tpu.memory_space<hbm>> -> memref<1000000x64xf32, #tpu.memory_space<hbm>>
    tpu.enqueue_indirect_dma source(%dma_start3A_24 : memref<1000000x64xf32, #tpu.memory_space<hbm>>) target(%arg7 : memref<128x64xf32, #tpu.memory_space<vmem>>) offsets(%dma_start3A_21 : memref<128xi32, #tpu.memory_space<vmem>>) semaphore(%arg15 : memref<!tpu.dma_semaphore, #tpu.memory_space<semaphore_mem>>)
    %dma_start3A_25 = arith.constant 2 : i32
    %dma_start3A_26 = arith.constant 0 : i32
    %dma_start3A_27 = tpu.memref_slice %arg5[%dma_start3A_25, %dma_start3A_26] : memref<200x128xi32, #tpu.memory_space<vmem>> -> memref<1x128xi32, #tpu.memory_space<vmem>>
    %dma_start3A_28 = tpu.memref_squeeze %dma_start3A_27 : memref<1x128xi32, #tpu.memory_space<vmem>> -> memref<128xi32, #tpu.memory_space<vmem>>
    %dma_start3A_29 = arith.constant 0 : i32
    %dma_start3A_30 = arith.constant 0 : i32
    %dma_start3A_31 = tpu.memref_slice %arg3[%dma_start3A_29, %dma_start3A_30] : memref<1000000x64xf32, #tpu.memory_space<hbm>> -> memref<1000000x64xf32, #tpu.memory_space<hbm>>
    tpu.enqueue_indirect_dma source(%dma_start3A_31 : memref<1000000x64xf32, #tpu.memory_space<hbm>>) target(%arg8 : memref<128x64xf32, #tpu.memory_space<vmem>>) offsets(%dma_start3A_28 : memref<128xi32, #tpu.memory_space<vmem>>) semaphore(%arg16 : memref<!tpu.dma_semaphore, #tpu.memory_space<semaphore_mem>>)
    %dma_start3A_32 = arith.constant 3 : i32
    %dma_start3A_33 = arith.constant 0 : i32
    %dma_start3A_34 = tpu.memref_slice %arg5[%dma_start3A_32, %dma_start3A_33] : memref<200x128xi32, #tpu.memory_space<vmem>> -> memref<1x128xi32, #tpu.memory_space<vmem>>
    %dma_start3A_35 = tpu.memref_squeeze %dma_start3A_34 : memref<1x128xi32, #tpu.memory_space<vmem>> -> memref<128xi32, #tpu.memory_space<vmem>>
    %dma_start3A_36 = arith.constant 0 : i32
    %dma_start3A_37 = arith.constant 0 : i32
    %dma_start3A_38 = tpu.memref_slice %arg3[%dma_start3A_36, %dma_start3A_37] : memref<1000000x64xf32, #tpu.memory_space<hbm>> -> memref<1000000x64xf32, #tpu.memory_space<hbm>>
    tpu.enqueue_indirect_dma source(%dma_start3A_38 : memref<1000000x64xf32, #tpu.memory_space<hbm>>) target(%arg9 : memref<128x64xf32, #tpu.memory_space<vmem>>) offsets(%dma_start3A_35 : memref<128xi32, #tpu.memory_space<vmem>>) semaphore(%arg17 : memref<!tpu.dma_semaphore, #tpu.memory_space<semaphore_mem>>)
    %scan3A = arith.constant 0 : i32
    %scan3A_39 = arith.constant 0 : i32
    %scan3A_40 = arith.constant 50 : i32
    %scan3A_41 = arith.addi %scan3A_39, %scan3A_40 : i32
    %scan3A_42 = arith.constant 1 : i32
    scf.for %scan3A_84 = %scan3A_39 to %scan3A_41 step %scan3A_42  : i32 {
      %mul3A_85 = arith.constant 4 : i32
      %mul3A_86 = arith.muli %scan3A_84, %mul3A_85 : i32
      %add3A_87 = arith.constant 0 : i32
      %add3A_88 = arith.addi %mul3A_86, %add3A_87 : i32
      %dma_wait3A_89 = arith.constant 0 : i32
      %dma_wait3A_90 = arith.constant 0 : i32
      %dma_wait3A_91 = tpu.memref_slice %arg5[%dma_wait3A_89, %dma_wait3A_90] : memref<200x128xi32, #tpu.memory_space<vmem>> -> memref<1x128xi32, #tpu.memory_space<vmem>>
      %dma_wait3A_92 = tpu.memref_squeeze %dma_wait3A_91 : memref<1x128xi32, #tpu.memory_space<vmem>> -> memref<128xi32, #tpu.memory_space<vmem>>
      %dma_wait3A_93 = arith.constant 0 : i32
      %dma_wait3A_94 = arith.constant 0 : i32
      %dma_wait3A_95 = tpu.memref_slice %arg3[%dma_wait3A_93, %dma_wait3A_94] : memref<1000000x64xf32, #tpu.memory_space<hbm>> -> memref<1000000x64xf32, #tpu.memory_space<hbm>>
      tpu.wait_indirect_dma semaphore(%arg14 : memref<!tpu.dma_semaphore, #tpu.memory_space<semaphore_mem>>) src(%dma_wait3A_95 : memref<1000000x64xf32, #tpu.memory_space<hbm>>) dst(%arg6 : memref<128x64xf32, #tpu.memory_space<vmem>>)
      %ge3A = arith.constant 4 : i32
      %ge3A_96 = arith.cmpi sge, %add3A_88, %ge3A : i32
      %convert_element_type3A = arith.extui %ge3A_96 : i1 to i32
      %cond3A = arith.constant 0 : i32
      %cond3A_97 = arith.cmpi ne, %convert_element_type3A, %cond3A : i32
      scf.if %cond3A_97 {
        %dma_wait3A_229 = arith.constant 0 : i32
        %dma_wait3A_230 = arith.constant 0 : i32
        %dma_wait3A_231 = arith.constant 0 : i32
        %dma_wait3A_232 = arith.constant 0 : i32
        %dma_wait3A_233 = tpu.memref_slice %arg4[%dma_wait3A_229, %dma_wait3A_231, %dma_wait3A_230, %dma_wait3A_232] : memref<200x8x32x1024xf32, #tpu.memory_space<hbm>> -> memref<1x8x1x1024xf32, #tpu.memory_space<hbm>>
        %dma_wait3A_234 = tpu.memref_squeeze %dma_wait3A_233 : memref<1x8x1x1024xf32, #tpu.memory_space<hbm>> -> memref<8x1024xf32, #tpu.memory_space<hbm>>
        %dma_wait3A_235 = arith.constant 0 : i32
        %dma_wait3A_236 = arith.constant 0 : i32
        %dma_wait3A_237 = tpu.memref_slice %arg4[%dma_wait3A_229, %dma_wait3A_235, %dma_wait3A_230, %dma_wait3A_236] : memref<200x8x32x1024xf32, #tpu.memory_space<hbm>> -> memref<1x8x1x1024xf32, #tpu.memory_space<hbm>>
        %dma_wait3A_238 = tpu.memref_squeeze %dma_wait3A_237 : memref<1x8x1x1024xf32, #tpu.memory_space<hbm>> -> memref<8x1024xf32, #tpu.memory_space<hbm>>
        tpu.wait_dma2 semaphore(%arg18 : memref<!tpu.dma_semaphore, #tpu.memory_space<semaphore_mem>>) src(%arg10 : memref<8x1024xf32, #tpu.memory_space<vmem>>) dst(%dma_wait3A_238 : memref<8x1024xf32, #tpu.memory_space<hbm>>)
      } else {
      }
      %scan3A_98 = arith.constant 0 : i32
      %scan3A_99 = arith.constant 0 : i32
      %scan3A_100 = arith.constant 64 : i32
      %scan3A_101 = arith.addi %scan3A_99, %scan3A_100 : i32
      %scan3A_102 = arith.constant 2 : i32
      scf.for %scan3A_229 = %scan3A_99 to %scan3A_101 step %scan3A_102  : i32 {
        %shift_right_arithmetic3A = arith.constant 4 : i32
        %shift_right_arithmetic3A_230 = arith.shrsi %scan3A_229, %shift_right_arithmetic3A : i32
        %shift_left3A = arith.constant 4 : i32
        %shift_left3A_231 = arith.shli %shift_right_arithmetic3A_230, %shift_left3A : i32
        %and3A = arith.constant 15 : i32
        %and3A_232 = arith.andi %scan3A_229, %and3A : i32
        %add3A_233 = vector.broadcast %and3A_232 : i32 to vector<16xi32>
        %add3A_234 = arith.addi %iota3A, %add3A_233 : vector<16xi32>
        %and3A_235 = arith.constant 15 : i32
        %and3A_236 = vector.broadcast %and3A_235 : i32 to vector<16xi32>
        %and3A_237 = arith.andi %add3A_234, %and3A_236 : vector<16xi32>
        %add3A_238 = vector.broadcast %shift_left3A_231 : i32 to vector<16xi32>
        %add3A_239 = arith.addi %add3A_238, %and3A_237 : vector<16xi32>
        %shift_right_arithmetic3A_240 = arith.constant 3 : i32
        %shift_right_arithmetic3A_241 = vector.broadcast %shift_right_arithmetic3A_240 : i32 to vector<16xi32>
        %shift_right_arithmetic3A_242 = arith.shrsi %add3A_239, %shift_right_arithmetic3A_241 : vector<16xi32>
        %and3A_243 = arith.constant 7 : i32
        %and3A_244 = vector.broadcast %and3A_243 : i32 to vector<16xi32>
        %and3A_245 = arith.andi %add3A_239, %and3A_244 : vector<16xi32>
        %shift_left3A_246 = arith.constant 7 : i32
        %shift_left3A_247 = vector.broadcast %shift_left3A_246 : i32 to vector<16xi32>
        %shift_left3A_248 = arith.shli %and3A_245, %shift_left3A_247 : vector<16xi32>
        %add3A_249 = arith.addi %shift_left3A_248, %iota3A : vector<16xi32>
        %add3A_250 = arith.constant 0 : i32
        %add3A_251 = vector.broadcast %add3A_250 : i32 to vector<16xi32>
        %add3A_252 = arith.addi %iota3A, %add3A_251 : vector<16xi32>
        %gather3A = tpu.vector_load_idx %arg6[%add3A_252, %add3A_239] : memref<128x64xf32, #tpu.memory_space<vmem>>[vector<16xi32>, vector<16xi32>], vector<16xf32>,
        %add3A_253 = arith.constant 16 : i32
        %add3A_254 = vector.broadcast %add3A_253 : i32 to vector<16xi32>
        %add3A_255 = arith.addi %iota3A, %add3A_254 : vector<16xi32>
        %gather3A_256 = tpu.vector_load_idx %arg6[%add3A_255, %add3A_239] : memref<128x64xf32, #tpu.memory_space<vmem>>[vector<16xi32>, vector<16xi32>], vector<16xf32>,
        %add3A_257 = arith.constant 32 : i32
        %add3A_258 = vector.broadcast %add3A_257 : i32 to vector<16xi32>
        %add3A_259 = arith.addi %iota3A, %add3A_258 : vector<16xi32>
        %gather3A_260 = tpu.vector_load_idx %arg6[%add3A_259, %add3A_239] : memref<128x64xf32, #tpu.memory_space<vmem>>[vector<16xi32>, vector<16xi32>], vector<16xf32>,
        %add3A_261 = arith.constant 48 : i32
        %add3A_262 = vector.broadcast %add3A_261 : i32 to vector<16xi32>
        %add3A_263 = arith.addi %iota3A, %add3A_262 : vector<16xi32>
        %gather3A_264 = tpu.vector_load_idx %arg6[%add3A_263, %add3A_239] : memref<128x64xf32, #tpu.memory_space<vmem>>[vector<16xi32>, vector<16xi32>], vector<16xf32>,
        %add3A_265 = arith.constant 64 : i32
        %add3A_266 = vector.broadcast %add3A_265 : i32 to vector<16xi32>
        %add3A_267 = arith.addi %iota3A, %add3A_266 : vector<16xi32>
        %gather3A_268 = tpu.vector_load_idx %arg6[%add3A_267, %add3A_239] : memref<128x64xf32, #tpu.memory_space<vmem>>[vector<16xi32>, vector<16xi32>], vector<16xf32>,
        %add3A_269 = arith.constant 80 : i32
        %add3A_270 = vector.broadcast %add3A_269 : i32 to vector<16xi32>
        %add3A_271 = arith.addi %iota3A, %add3A_270 : vector<16xi32>
        %gather3A_272 = tpu.vector_load_idx %arg6[%add3A_271, %add3A_239] : memref<128x64xf32, #tpu.memory_space<vmem>>[vector<16xi32>, vector<16xi32>], vector<16xf32>,
        %add3A_273 = arith.constant 96 : i32
        %add3A_274 = vector.broadcast %add3A_273 : i32 to vector<16xi32>
        %add3A_275 = arith.addi %iota3A, %add3A_274 : vector<16xi32>
        %gather3A_276 = tpu.vector_load_idx %arg6[%add3A_275, %add3A_239] : memref<128x64xf32, #tpu.memory_space<vmem>>[vector<16xi32>, vector<16xi32>], vector<16xf32>,
        %add3A_277 = arith.constant 112 : i32
        %add3A_278 = vector.broadcast %add3A_277 : i32 to vector<16xi32>
        %add3A_279 = arith.addi %iota3A, %add3A_278 : vector<16xi32>
        %gather3A_280 = tpu.vector_load_idx %arg6[%add3A_279, %add3A_239] : memref<128x64xf32, #tpu.memory_space<vmem>>[vector<16xi32>, vector<16xi32>], vector<16xf32>,
        %add3A_281 = arith.constant 0 : i32
        %add3A_282 = vector.broadcast %add3A_281 : i32 to vector<16xi32>
        %add3A_283 = arith.addi %add3A_249, %add3A_282 : vector<16xi32>
        %mul3A_284 = arith.constant 8.000000e+00 : f32
        %mul3A_285 = vector.broadcast %mul3A_284 : f32 to vector<16xf32>
        %mul3A_286 = arith.mulf %gather3A, %mul3A_285 : vector<16xf32>
        tpu.vector_store_idx %arg10[%shift_right_arithmetic3A_242, %add3A_283], %mul3A_286 : memref<8x1024xf32, #tpu.memory_space<vmem>>[vector<16xi32>, vector<16xi32>], vector<16xf32>,
        %add3A_287 = arith.constant 16 : i32
        %add3A_288 = vector.broadcast %add3A_287 : i32 to vector<16xi32>
        %add3A_289 = arith.addi %add3A_249, %add3A_288 : vector<16xi32>
        %mul3A_290 = arith.constant 8.000000e+00 : f32
        %mul3A_291 = vector.broadcast %mul3A_290 : f32 to vector<16xf32>
        %mul3A_292 = arith.mulf %gather3A_256, %mul3A_291 : vector<16xf32>
        tpu.vector_store_idx %arg10[%shift_right_arithmetic3A_242, %add3A_289], %mul3A_292 : memref<8x1024xf32, #tpu.memory_space<vmem>>[vector<16xi32>, vector<16xi32>], vector<16xf32>,
        %add3A_293 = arith.constant 32 : i32
        %add3A_294 = vector.broadcast %add3A_293 : i32 to vector<16xi32>
        %add3A_295 = arith.addi %add3A_249, %add3A_294 : vector<16xi32>
        %mul3A_296 = arith.constant 8.000000e+00 : f32
        %mul3A_297 = vector.broadcast %mul3A_296 : f32 to vector<16xf32>
        %mul3A_298 = arith.mulf %gather3A_260, %mul3A_297 : vector<16xf32>
        tpu.vector_store_idx %arg10[%shift_right_arithmetic3A_242, %add3A_295], %mul3A_298 : memref<8x1024xf32, #tpu.memory_space<vmem>>[vector<16xi32>, vector<16xi32>], vector<16xf32>,
        %add3A_299 = arith.constant 48 : i32
        %add3A_300 = vector.broadcast %add3A_299 : i32 to vector<16xi32>
        %add3A_301 = arith.addi %add3A_249, %add3A_300 : vector<16xi32>
        %mul3A_302 = arith.constant 8.000000e+00 : f32
        %mul3A_303 = vector.broadcast %mul3A_302 : f32 to vector<16xf32>
        %mul3A_304 = arith.mulf %gather3A_264, %mul3A_303 : vector<16xf32>
        tpu.vector_store_idx %arg10[%shift_right_arithmetic3A_242, %add3A_301], %mul3A_304 : memref<8x1024xf32, #tpu.memory_space<vmem>>[vector<16xi32>, vector<16xi32>], vector<16xf32>,
        %add3A_305 = arith.constant 64 : i32
        %add3A_306 = vector.broadcast %add3A_305 : i32 to vector<16xi32>
        %add3A_307 = arith.addi %add3A_249, %add3A_306 : vector<16xi32>
        %mul3A_308 = arith.constant 8.000000e+00 : f32
        %mul3A_309 = vector.broadcast %mul3A_308 : f32 to vector<16xf32>
        %mul3A_310 = arith.mulf %gather3A_268, %mul3A_309 : vector<16xf32>
        tpu.vector_store_idx %arg10[%shift_right_arithmetic3A_242, %add3A_307], %mul3A_310 : memref<8x1024xf32, #tpu.memory_space<vmem>>[vector<16xi32>, vector<16xi32>], vector<16xf32>,
        %add3A_311 = arith.constant 80 : i32
        %add3A_312 = vector.broadcast %add3A_311 : i32 to vector<16xi32>
        %add3A_313 = arith.addi %add3A_249, %add3A_312 : vector<16xi32>
        %mul3A_314 = arith.constant 8.000000e+00 : f32
        %mul3A_315 = vector.broadcast %mul3A_314 : f32 to vector<16xf32>
        %mul3A_316 = arith.mulf %gather3A_272, %mul3A_315 : vector<16xf32>
        tpu.vector_store_idx %arg10[%shift_right_arithmetic3A_242, %add3A_313], %mul3A_316 : memref<8x1024xf32, #tpu.memory_space<vmem>>[vector<16xi32>, vector<16xi32>], vector<16xf32>,
        %add3A_317 = arith.constant 96 : i32
        %add3A_318 = vector.broadcast %add3A_317 : i32 to vector<16xi32>
        %add3A_319 = arith.addi %add3A_249, %add3A_318 : vector<16xi32>
        %mul3A_320 = arith.constant 8.000000e+00 : f32
        %mul3A_321 = vector.broadcast %mul3A_320 : f32 to vector<16xf32>
        %mul3A_322 = arith.mulf %gather3A_276, %mul3A_321 : vector<16xf32>
        tpu.vector_store_idx %arg10[%shift_right_arithmetic3A_242, %add3A_319], %mul3A_322 : memref<8x1024xf32, #tpu.memory_space<vmem>>[vector<16xi32>, vector<16xi32>], vector<16xf32>,
        %add3A_323 = arith.constant 112 : i32
        %add3A_324 = vector.broadcast %add3A_323 : i32 to vector<16xi32>
        %add3A_325 = arith.addi %add3A_249, %add3A_324 : vector<16xi32>
        %mul3A_326 = arith.constant 8.000000e+00 : f32
        %mul3A_327 = vector.broadcast %mul3A_326 : f32 to vector<16xf32>
        %mul3A_328 = arith.mulf %gather3A_280, %mul3A_327 : vector<16xf32>
        tpu.vector_store_idx %arg10[%shift_right_arithmetic3A_242, %add3A_325], %mul3A_328 : memref<8x1024xf32, #tpu.memory_space<vmem>>[vector<16xi32>, vector<16xi32>], vector<16xf32>,
        %scan3A_329 = arith.constant 1 : i32
        %scan3A_330 = arith.addi %scan3A_229, %scan3A_329 : i32
        %shift_right_arithmetic3A_331 = arith.constant 4 : i32
        %shift_right_arithmetic3A_332 = arith.shrsi %scan3A_330, %shift_right_arithmetic3A_331 : i32
        %shift_left3A_333 = arith.constant 4 : i32
        %shift_left3A_334 = arith.shli %shift_right_arithmetic3A_332, %shift_left3A_333 : i32
        %and3A_335 = arith.constant 15 : i32
        %and3A_336 = arith.andi %scan3A_330, %and3A_335 : i32
        %add3A_337 = vector.broadcast %and3A_336 : i32 to vector<16xi32>
        %add3A_338 = arith.addi %iota3A, %add3A_337 : vector<16xi32>
        %and3A_339 = arith.constant 15 : i32
        %and3A_340 = vector.broadcast %and3A_339 : i32 to vector<16xi32>
        %and3A_341 = arith.andi %add3A_338, %and3A_340 : vector<16xi32>
        %add3A_342 = vector.broadcast %shift_left3A_334 : i32 to vector<16xi32>
        %add3A_343 = arith.addi %add3A_342, %and3A_341 : vector<16xi32>
        %shift_right_arithmetic3A_344 = arith.constant 3 : i32
        %shift_right_arithmetic3A_345 = vector.broadcast %shift_right_arithmetic3A_344 : i32 to vector<16xi32>
        %shift_right_arithmetic3A_346 = arith.shrsi %add3A_343, %shift_right_arithmetic3A_345 : vector<16xi32>
        %and3A_347 = arith.constant 7 : i32
        %and3A_348 = vector.broadcast %and3A_347 : i32 to vector<16xi32>
        %and3A_349 = arith.andi %add3A_343, %and3A_348 : vector<16xi32>
        %shift_left3A_350 = arith.constant 7 : i32
        %shift_left3A_351 = vector.broadcast %shift_left3A_350 : i32 to vector<16xi32>
        %shift_left3A_352 = arith.shli %and3A_349, %shift_left3A_351 : vector<16xi32>
        %add3A_353 = arith.addi %shift_left3A_352, %iota3A : vector<16xi32>
        %add3A_354 = arith.constant 0 : i32
        %add3A_355 = vector.broadcast %add3A_354 : i32 to vector<16xi32>
        %add3A_356 = arith.addi %iota3A, %add3A_355 : vector<16xi32>
        %gather3A_357 = tpu.vector_load_idx %arg6[%add3A_356, %add3A_343] : memref<128x64xf32, #tpu.memory_space<vmem>>[vector<16xi32>, vector<16xi32>], vector<16xf32>,
        %add3A_358 = arith.constant 16 : i32
        %add3A_359 = vector.broadcast %add3A_358 : i32 to vector<16xi32>
        %add3A_360 = arith.addi %iota3A, %add3A_359 : vector<16xi32>
        %gather3A_361 = tpu.vector_load_idx %arg6[%add3A_360, %add3A_343] : memref<128x64xf32, #tpu.memory_space<vmem>>[vector<16xi32>, vector<16xi32>], vector<16xf32>,
        %add3A_362 = arith.constant 32 : i32
        %add3A_363 = vector.broadcast %add3A_362 : i32 to vector<16xi32>
        %add3A_364 = arith.addi %iota3A, %add3A_363 : vector<16xi32>
        %gather3A_365 = tpu.vector_load_idx %arg6[%add3A_364, %add3A_343] : memref<128x64xf32, #tpu.memory_space<vmem>>[vector<16xi32>, vector<16xi32>], vector<16xf32>,
        %add3A_366 = arith.constant 48 : i32
        %add3A_367 = vector.broadcast %add3A_366 : i32 to vector<16xi32>
        %add3A_368 = arith.addi %iota3A, %add3A_367 : vector<16xi32>
        %gather3A_369 = tpu.vector_load_idx %arg6[%add3A_368, %add3A_343] : memref<128x64xf32, #tpu.memory_space<vmem>>[vector<16xi32>, vector<16xi32>], vector<16xf32>,
        %add3A_370 = arith.constant 64 : i32
        %add3A_371 = vector.broadcast %add3A_370 : i32 to vector<16xi32>
        %add3A_372 = arith.addi %iota3A, %add3A_371 : vector<16xi32>
        %gather3A_373 = tpu.vector_load_idx %arg6[%add3A_372, %add3A_343] : memref<128x64xf32, #tpu.memory_space<vmem>>[vector<16xi32>, vector<16xi32>], vector<16xf32>,
        %add3A_374 = arith.constant 80 : i32
        %add3A_375 = vector.broadcast %add3A_374 : i32 to vector<16xi32>
        %add3A_376 = arith.addi %iota3A, %add3A_375 : vector<16xi32>
        %gather3A_377 = tpu.vector_load_idx %arg6[%add3A_376, %add3A_343] : memref<128x64xf32, #tpu.memory_space<vmem>>[vector<16xi32>, vector<16xi32>], vector<16xf32>,
        %add3A_378 = arith.constant 96 : i32
        %add3A_379 = vector.broadcast %add3A_378 : i32 to vector<16xi32>
        %add3A_380 = arith.addi %iota3A, %add3A_379 : vector<16xi32>
        %gather3A_381 = tpu.vector_load_idx %arg6[%add3A_380, %add3A_343] : memref<128x64xf32, #tpu.memory_space<vmem>>[vector<16xi32>, vector<16xi32>], vector<16xf32>,
        %add3A_382 = arith.constant 112 : i32
        %add3A_383 = vector.broadcast %add3A_382 : i32 to vector<16xi32>
        %add3A_384 = arith.addi %iota3A, %add3A_383 : vector<16xi32>
        %gather3A_385 = tpu.vector_load_idx %arg6[%add3A_384, %add3A_343] : memref<128x64xf32, #tpu.memory_space<vmem>>[vector<16xi32>, vector<16xi32>], vector<16xf32>,
        %add3A_386 = arith.constant 0 : i32
        %add3A_387 = vector.broadcast %add3A_386 : i32 to vector<16xi32>
        %add3A_388 = arith.addi %add3A_353, %add3A_387 : vector<16xi32>
        %mul3A_389 = arith.constant 8.000000e+00 : f32
        %mul3A_390 = vector.broadcast %mul3A_389 : f32 to vector<16xf32>
        %mul3A_391 = arith.mulf %gather3A_357, %mul3A_390 : vector<16xf32>
        tpu.vector_store_idx %arg10[%shift_right_arithmetic3A_346, %add3A_388], %mul3A_391 : memref<8x1024xf32, #tpu.memory_space<vmem>>[vector<16xi32>, vector<16xi32>], vector<16xf32>,
        %add3A_392 = arith.constant 16 : i32
        %add3A_393 = vector.broadcast %add3A_392 : i32 to vector<16xi32>
        %add3A_394 = arith.addi %add3A_353, %add3A_393 : vector<16xi32>
        %mul3A_395 = arith.constant 8.000000e+00 : f32
        %mul3A_396 = vector.broadcast %mul3A_395 : f32 to vector<16xf32>
        %mul3A_397 = arith.mulf %gather3A_361, %mul3A_396 : vector<16xf32>
        tpu.vector_store_idx %arg10[%shift_right_arithmetic3A_346, %add3A_394], %mul3A_397 : memref<8x1024xf32, #tpu.memory_space<vmem>>[vector<16xi32>, vector<16xi32>], vector<16xf32>,
        %add3A_398 = arith.constant 32 : i32
        %add3A_399 = vector.broadcast %add3A_398 : i32 to vector<16xi32>
        %add3A_400 = arith.addi %add3A_353, %add3A_399 : vector<16xi32>
        %mul3A_401 = arith.constant 8.000000e+00 : f32
        %mul3A_402 = vector.broadcast %mul3A_401 : f32 to vector<16xf32>
        %mul3A_403 = arith.mulf %gather3A_365, %mul3A_402 : vector<16xf32>
        tpu.vector_store_idx %arg10[%shift_right_arithmetic3A_346, %add3A_400], %mul3A_403 : memref<8x1024xf32, #tpu.memory_space<vmem>>[vector<16xi32>, vector<16xi32>], vector<16xf32>,
        %add3A_404 = arith.constant 48 : i32
        %add3A_405 = vector.broadcast %add3A_404 : i32 to vector<16xi32>
        %add3A_406 = arith.addi %add3A_353, %add3A_405 : vector<16xi32>
        %mul3A_407 = arith.constant 8.000000e+00 : f32
        %mul3A_408 = vector.broadcast %mul3A_407 : f32 to vector<16xf32>
        %mul3A_409 = arith.mulf %gather3A_369, %mul3A_408 : vector<16xf32>
        tpu.vector_store_idx %arg10[%shift_right_arithmetic3A_346, %add3A_406], %mul3A_409 : memref<8x1024xf32, #tpu.memory_space<vmem>>[vector<16xi32>, vector<16xi32>], vector<16xf32>,
        %add3A_410 = arith.constant 64 : i32
        %add3A_411 = vector.broadcast %add3A_410 : i32 to vector<16xi32>
        %add3A_412 = arith.addi %add3A_353, %add3A_411 : vector<16xi32>
        %mul3A_413 = arith.constant 8.000000e+00 : f32
        %mul3A_414 = vector.broadcast %mul3A_413 : f32 to vector<16xf32>
        %mul3A_415 = arith.mulf %gather3A_373, %mul3A_414 : vector<16xf32>
        tpu.vector_store_idx %arg10[%shift_right_arithmetic3A_346, %add3A_412], %mul3A_415 : memref<8x1024xf32, #tpu.memory_space<vmem>>[vector<16xi32>, vector<16xi32>], vector<16xf32>,
        %add3A_416 = arith.constant 80 : i32
        %add3A_417 = vector.broadcast %add3A_416 : i32 to vector<16xi32>
        %add3A_418 = arith.addi %add3A_353, %add3A_417 : vector<16xi32>
        %mul3A_419 = arith.constant 8.000000e+00 : f32
        %mul3A_420 = vector.broadcast %mul3A_419 : f32 to vector<16xf32>
        %mul3A_421 = arith.mulf %gather3A_377, %mul3A_420 : vector<16xf32>
        tpu.vector_store_idx %arg10[%shift_right_arithmetic3A_346, %add3A_418], %mul3A_421 : memref<8x1024xf32, #tpu.memory_space<vmem>>[vector<16xi32>, vector<16xi32>], vector<16xf32>,
        %add3A_422 = arith.constant 96 : i32
        %add3A_423 = vector.broadcast %add3A_422 : i32 to vector<16xi32>
        %add3A_424 = arith.addi %add3A_353, %add3A_423 : vector<16xi32>
        %mul3A_425 = arith.constant 8.000000e+00 : f32
        %mul3A_426 = vector.broadcast %mul3A_425 : f32 to vector<16xf32>
        %mul3A_427 = arith.mulf %gather3A_381, %mul3A_426 : vector<16xf32>
        tpu.vector_store_idx %arg10[%shift_right_arithmetic3A_346, %add3A_424], %mul3A_427 : memref<8x1024xf32, #tpu.memory_space<vmem>>[vector<16xi32>, vector<16xi32>], vector<16xf32>,
        %add3A_428 = arith.constant 112 : i32
        %add3A_429 = vector.broadcast %add3A_428 : i32 to vector<16xi32>
        %add3A_430 = arith.addi %add3A_353, %add3A_429 : vector<16xi32>
        %mul3A_431 = arith.constant 8.000000e+00 : f32
        %mul3A_432 = vector.broadcast %mul3A_431 : f32 to vector<16xf32>
        %mul3A_433 = arith.mulf %gather3A_385, %mul3A_432 : vector<16xf32>
        tpu.vector_store_idx %arg10[%shift_right_arithmetic3A_346, %add3A_430], %mul3A_433 : memref<8x1024xf32, #tpu.memory_space<vmem>>[vector<16xi32>, vector<16xi32>], vector<16xf32>,
      }
      %scan3A_103 = arith.constant 64 : i32
      %dma_start3A_104 = arith.constant 0 : i32
      %dma_start3A_105 = arith.constant 0 : i32
      %dma_start3A_106 = tpu.memref_slice %arg4[%add3A_88, %dma_start3A_104, %add3A, %dma_start3A_105] : memref<200x8x32x1024xf32, #tpu.memory_space<hbm>> -> memref<1x8x1x1024xf32, #tpu.memory_space<hbm>>
      %dma_start3A_107 = tpu.memref_squeeze %dma_start3A_106 : memref<1x8x1x1024xf32, #tpu.memory_space<hbm>> -> memref<8x1024xf32, #tpu.memory_space<hbm>>
      %dma_start3A_108 = arith.constant 0 : i32
      %dma_start3A_109 = arith.constant 0 : i32
      %dma_start3A_110 = tpu.memref_slice %arg4[%add3A_88, %dma_start3A_108, %add3A, %dma_start3A_109] : memref<200x8x32x1024xf32, #tpu.memory_space<hbm>> -> memref<1x8x1x1024xf32, #tpu.memory_space<hbm>>
      %dma_start3A_111 = tpu.memref_squeeze %dma_start3A_110 : memref<1x8x1x1024xf32, #tpu.memory_space<hbm>> -> memref<8x1024xf32, #tpu.memory_space<hbm>>
      tpu.enqueue_dma source(%arg10 : memref<8x1024xf32, #tpu.memory_space<vmem>>) target(%dma_start3A_111 : memref<8x1024xf32, #tpu.memory_space<hbm>>) target_semaphore(%arg18 : memref<!tpu.dma_semaphore, #tpu.memory_space<semaphore_mem>>)
      %add3A_112 = arith.constant 4 : i32
      %add3A_113 = arith.addi %add3A_88, %add3A_112 : i32
      %lt3A = arith.constant 200 : i32
      %lt3A_114 = arith.cmpi slt, %add3A_113, %lt3A : i32
      %convert_element_type3A_115 = arith.extui %lt3A_114 : i1 to i32
      %cond3A_116 = arith.constant 0 : i32
      %cond3A_117 = arith.cmpi ne, %convert_element_type3A_115, %cond3A_116 : i32
      scf.if %cond3A_117 {
        %add3A_229 = arith.constant 4 : i32
        %add3A_230 = arith.addi %add3A_88, %add3A_229 : i32
        %dma_start3A_231 = arith.constant 0 : i32
        %dma_start3A_232 = tpu.memref_slice %arg5[%add3A_230, %dma_start3A_231] : memref<200x128xi32, #tpu.memory_space<vmem>> -> memref<1x128xi32, #tpu.memory_space<vmem>>
        %dma_start3A_233 = tpu.memref_squeeze %dma_start3A_232 : memref<1x128xi32, #tpu.memory_space<vmem>> -> memref<128xi32, #tpu.memory_space<vmem>>
        %dma_start3A_234 = arith.constant 0 : i32
        %dma_start3A_235 = arith.constant 0 : i32
        %dma_start3A_236 = tpu.memref_slice %arg3[%dma_start3A_234, %dma_start3A_235] : memref<1000000x64xf32, #tpu.memory_space<hbm>> -> memref<1000000x64xf32, #tpu.memory_space<hbm>>
        tpu.enqueue_indirect_dma source(%dma_start3A_236 : memref<1000000x64xf32, #tpu.memory_space<hbm>>) target(%arg6 : memref<128x64xf32, #tpu.memory_space<vmem>>) offsets(%dma_start3A_233 : memref<128xi32, #tpu.memory_space<vmem>>) semaphore(%arg14 : memref<!tpu.dma_semaphore, #tpu.memory_space<semaphore_mem>>)
      } else {
      }
      %mul3A_118 = arith.constant 4 : i32
      %mul3A_119 = arith.muli %scan3A_84, %mul3A_118 : i32
      %add3A_120 = arith.constant 1 : i32
      %add3A_121 = arith.addi %mul3A_119, %add3A_120 : i32
      %dma_wait3A_122 = arith.constant 0 : i32
      %dma_wait3A_123 = arith.constant 0 : i32
      %dma_wait3A_124 = tpu.memref_slice %arg5[%dma_wait3A_122, %dma_wait3A_123] : memref<200x128xi32, #tpu.memory_space<vmem>> -> memref<1x128xi32, #tpu.memory_space<vmem>>
      %dma_wait3A_125 = tpu.memref_squeeze %dma_wait3A_124 : memref<1x128xi32, #tpu.memory_space<vmem>> -> memref<128xi32, #tpu.memory_space<vmem>>
      %dma_wait3A_126 = arith.constant 0 : i32
      %dma_wait3A_127 = arith.constant 0 : i32
      %dma_wait3A_128 = tpu.memref_slice %arg3[%dma_wait3A_126, %dma_wait3A_127] : memref<1000000x64xf32, #tpu.memory_space<hbm>> -> memref<1000000x64xf32, #tpu.memory_space<hbm>>
      tpu.wait_indirect_dma semaphore(%arg15 : memref<!tpu.dma_semaphore, #tpu.memory_space<semaphore_mem>>) src(%dma_wait3A_128 : memref<1000000x64xf32, #tpu.memory_space<hbm>>) dst(%arg7 : memref<128x64xf32, #tpu.memory_space<vmem>>)
      %ge3A_129 = arith.constant 4 : i32
      %ge3A_130 = arith.cmpi sge, %add3A_121, %ge3A_129 : i32
      %convert_element_type3A_131 = arith.extui %ge3A_130 : i1 to i32
      %cond3A_132 = arith.constant 0 : i32
      %cond3A_133 = arith.cmpi ne, %convert_element_type3A_131, %cond3A_132 : i32
      scf.if %cond3A_133 {
        %dma_wait3A_229 = arith.constant 0 : i32
        %dma_wait3A_230 = arith.constant 0 : i32
        %dma_wait3A_231 = arith.constant 0 : i32
        %dma_wait3A_232 = arith.constant 0 : i32
        %dma_wait3A_233 = tpu.memref_slice %arg4[%dma_wait3A_229, %dma_wait3A_231, %dma_wait3A_230, %dma_wait3A_232] : memref<200x8x32x1024xf32, #tpu.memory_space<hbm>> -> memref<1x8x1x1024xf32, #tpu.memory_space<hbm>>
        %dma_wait3A_234 = tpu.memref_squeeze %dma_wait3A_233 : memref<1x8x1x1024xf32, #tpu.memory_space<hbm>> -> memref<8x1024xf32, #tpu.memory_space<hbm>>
        %dma_wait3A_235 = arith.constant 0 : i32
        %dma_wait3A_236 = arith.constant 0 : i32
        %dma_wait3A_237 = tpu.memref_slice %arg4[%dma_wait3A_229, %dma_wait3A_235, %dma_wait3A_230, %dma_wait3A_236] : memref<200x8x32x1024xf32, #tpu.memory_space<hbm>> -> memref<1x8x1x1024xf32, #tpu.memory_space<hbm>>
        %dma_wait3A_238 = tpu.memref_squeeze %dma_wait3A_237 : memref<1x8x1x1024xf32, #tpu.memory_space<hbm>> -> memref<8x1024xf32, #tpu.memory_space<hbm>>
        tpu.wait_dma2 semaphore(%arg19 : memref<!tpu.dma_semaphore, #tpu.memory_space<semaphore_mem>>) src(%arg11 : memref<8x1024xf32, #tpu.memory_space<vmem>>) dst(%dma_wait3A_238 : memref<8x1024xf32, #tpu.memory_space<hbm>>)
      } else {
      }
      %scan3A_134 = arith.constant 0 : i32
      %scan3A_135 = arith.constant 0 : i32
      %scan3A_136 = arith.constant 64 : i32
      %scan3A_137 = arith.addi %scan3A_135, %scan3A_136 : i32
      %scan3A_138 = arith.constant 2 : i32
      scf.for %scan3A_229 = %scan3A_135 to %scan3A_137 step %scan3A_138  : i32 {
        %shift_right_arithmetic3A = arith.constant 4 : i32
        %shift_right_arithmetic3A_230 = arith.shrsi %scan3A_229, %shift_right_arithmetic3A : i32
        %shift_left3A = arith.constant 4 : i32
        %shift_left3A_231 = arith.shli %shift_right_arithmetic3A_230, %shift_left3A : i32
        %and3A = arith.constant 15 : i32
        %and3A_232 = arith.andi %scan3A_229, %and3A : i32
        %add3A_233 = vector.broadcast %and3A_232 : i32 to vector<16xi32>
        %add3A_234 = arith.addi %iota3A, %add3A_233 : vector<16xi32>
        %and3A_235 = arith.constant 15 : i32
        %and3A_236 = vector.broadcast %and3A_235 : i32 to vector<16xi32>
        %and3A_237 = arith.andi %add3A_234, %and3A_236 : vector<16xi32>
        %add3A_238 = vector.broadcast %shift_left3A_231 : i32 to vector<16xi32>
        %add3A_239 = arith.addi %add3A_238, %and3A_237 : vector<16xi32>
        %shift_right_arithmetic3A_240 = arith.constant 3 : i32
        %shift_right_arithmetic3A_241 = vector.broadcast %shift_right_arithmetic3A_240 : i32 to vector<16xi32>
        %shift_right_arithmetic3A_242 = arith.shrsi %add3A_239, %shift_right_arithmetic3A_241 : vector<16xi32>
        %and3A_243 = arith.constant 7 : i32
        %and3A_244 = vector.broadcast %and3A_243 : i32 to vector<16xi32>
        %and3A_245 = arith.andi %add3A_239, %and3A_244 : vector<16xi32>
        %shift_left3A_246 = arith.constant 7 : i32
        %shift_left3A_247 = vector.broadcast %shift_left3A_246 : i32 to vector<16xi32>
        %shift_left3A_248 = arith.shli %and3A_245, %shift_left3A_247 : vector<16xi32>
        %add3A_249 = arith.addi %shift_left3A_248, %iota3A : vector<16xi32>
        %add3A_250 = arith.constant 0 : i32
        %add3A_251 = vector.broadcast %add3A_250 : i32 to vector<16xi32>
        %add3A_252 = arith.addi %iota3A, %add3A_251 : vector<16xi32>
        %gather3A = tpu.vector_load_idx %arg7[%add3A_252, %add3A_239] : memref<128x64xf32, #tpu.memory_space<vmem>>[vector<16xi32>, vector<16xi32>], vector<16xf32>,
        %add3A_253 = arith.constant 16 : i32
        %add3A_254 = vector.broadcast %add3A_253 : i32 to vector<16xi32>
        %add3A_255 = arith.addi %iota3A, %add3A_254 : vector<16xi32>
        %gather3A_256 = tpu.vector_load_idx %arg7[%add3A_255, %add3A_239] : memref<128x64xf32, #tpu.memory_space<vmem>>[vector<16xi32>, vector<16xi32>], vector<16xf32>,
        %add3A_257 = arith.constant 32 : i32
        %add3A_258 = vector.broadcast %add3A_257 : i32 to vector<16xi32>
        %add3A_259 = arith.addi %iota3A, %add3A_258 : vector<16xi32>
        %gather3A_260 = tpu.vector_load_idx %arg7[%add3A_259, %add3A_239] : memref<128x64xf32, #tpu.memory_space<vmem>>[vector<16xi32>, vector<16xi32>], vector<16xf32>,
        %add3A_261 = arith.constant 48 : i32
        %add3A_262 = vector.broadcast %add3A_261 : i32 to vector<16xi32>
        %add3A_263 = arith.addi %iota3A, %add3A_262 : vector<16xi32>
        %gather3A_264 = tpu.vector_load_idx %arg7[%add3A_263, %add3A_239] : memref<128x64xf32, #tpu.memory_space<vmem>>[vector<16xi32>, vector<16xi32>], vector<16xf32>,
        %add3A_265 = arith.constant 64 : i32
        %add3A_266 = vector.broadcast %add3A_265 : i32 to vector<16xi32>
        %add3A_267 = arith.addi %iota3A, %add3A_266 : vector<16xi32>
        %gather3A_268 = tpu.vector_load_idx %arg7[%add3A_267, %add3A_239] : memref<128x64xf32, #tpu.memory_space<vmem>>[vector<16xi32>, vector<16xi32>], vector<16xf32>,
        %add3A_269 = arith.constant 80 : i32
        %add3A_270 = vector.broadcast %add3A_269 : i32 to vector<16xi32>
        %add3A_271 = arith.addi %iota3A, %add3A_270 : vector<16xi32>
        %gather3A_272 = tpu.vector_load_idx %arg7[%add3A_271, %add3A_239] : memref<128x64xf32, #tpu.memory_space<vmem>>[vector<16xi32>, vector<16xi32>], vector<16xf32>,
        %add3A_273 = arith.constant 96 : i32
        %add3A_274 = vector.broadcast %add3A_273 : i32 to vector<16xi32>
        %add3A_275 = arith.addi %iota3A, %add3A_274 : vector<16xi32>
        %gather3A_276 = tpu.vector_load_idx %arg7[%add3A_275, %add3A_239] : memref<128x64xf32, #tpu.memory_space<vmem>>[vector<16xi32>, vector<16xi32>], vector<16xf32>,
        %add3A_277 = arith.constant 112 : i32
        %add3A_278 = vector.broadcast %add3A_277 : i32 to vector<16xi32>
        %add3A_279 = arith.addi %iota3A, %add3A_278 : vector<16xi32>
        %gather3A_280 = tpu.vector_load_idx %arg7[%add3A_279, %add3A_239] : memref<128x64xf32, #tpu.memory_space<vmem>>[vector<16xi32>, vector<16xi32>], vector<16xf32>,
        %add3A_281 = arith.constant 0 : i32
        %add3A_282 = vector.broadcast %add3A_281 : i32 to vector<16xi32>
        %add3A_283 = arith.addi %add3A_249, %add3A_282 : vector<16xi32>
        %mul3A_284 = arith.constant 8.000000e+00 : f32
        %mul3A_285 = vector.broadcast %mul3A_284 : f32 to vector<16xf32>
        %mul3A_286 = arith.mulf %gather3A, %mul3A_285 : vector<16xf32>
        tpu.vector_store_idx %arg11[%shift_right_arithmetic3A_242, %add3A_283], %mul3A_286 : memref<8x1024xf32, #tpu.memory_space<vmem>>[vector<16xi32>, vector<16xi32>], vector<16xf32>,
        %add3A_287 = arith.constant 16 : i32
        %add3A_288 = vector.broadcast %add3A_287 : i32 to vector<16xi32>
        %add3A_289 = arith.addi %add3A_249, %add3A_288 : vector<16xi32>
        %mul3A_290 = arith.constant 8.000000e+00 : f32
        %mul3A_291 = vector.broadcast %mul3A_290 : f32 to vector<16xf32>
        %mul3A_292 = arith.mulf %gather3A_256, %mul3A_291 : vector<16xf32>
        tpu.vector_store_idx %arg11[%shift_right_arithmetic3A_242, %add3A_289], %mul3A_292 : memref<8x1024xf32, #tpu.memory_space<vmem>>[vector<16xi32>, vector<16xi32>], vector<16xf32>,
        %add3A_293 = arith.constant 32 : i32
        %add3A_294 = vector.broadcast %add3A_293 : i32 to vector<16xi32>
        %add3A_295 = arith.addi %add3A_249, %add3A_294 : vector<16xi32>
        %mul3A_296 = arith.constant 8.000000e+00 : f32
        %mul3A_297 = vector.broadcast %mul3A_296 : f32 to vector<16xf32>
        %mul3A_298 = arith.mulf %gather3A_260, %mul3A_297 : vector<16xf32>
        tpu.vector_store_idx %arg11[%shift_right_arithmetic3A_242, %add3A_295], %mul3A_298 : memref<8x1024xf32, #tpu.memory_space<vmem>>[vector<16xi32>, vector<16xi32>], vector<16xf32>,
        %add3A_299 = arith.constant 48 : i32
        %add3A_300 = vector.broadcast %add3A_299 : i32 to vector<16xi32>
        %add3A_301 = arith.addi %add3A_249, %add3A_300 : vector<16xi32>
        %mul3A_302 = arith.constant 8.000000e+00 : f32
        %mul3A_303 = vector.broadcast %mul3A_302 : f32 to vector<16xf32>
        %mul3A_304 = arith.mulf %gather3A_264, %mul3A_303 : vector<16xf32>
        tpu.vector_store_idx %arg11[%shift_right_arithmetic3A_242, %add3A_301], %mul3A_304 : memref<8x1024xf32, #tpu.memory_space<vmem>>[vector<16xi32>, vector<16xi32>], vector<16xf32>,
        %add3A_305 = arith.constant 64 : i32
        %add3A_306 = vector.broadcast %add3A_305 : i32 to vector<16xi32>
        %add3A_307 = arith.addi %add3A_249, %add3A_306 : vector<16xi32>
        %mul3A_308 = arith.constant 8.000000e+00 : f32
        %mul3A_309 = vector.broadcast %mul3A_308 : f32 to vector<16xf32>
        %mul3A_310 = arith.mulf %gather3A_268, %mul3A_309 : vector<16xf32>
        tpu.vector_store_idx %arg11[%shift_right_arithmetic3A_242, %add3A_307], %mul3A_310 : memref<8x1024xf32, #tpu.memory_space<vmem>>[vector<16xi32>, vector<16xi32>], vector<16xf32>,
        %add3A_311 = arith.constant 80 : i32
        %add3A_312 = vector.broadcast %add3A_311 : i32 to vector<16xi32>
        %add3A_313 = arith.addi %add3A_249, %add3A_312 : vector<16xi32>
        %mul3A_314 = arith.constant 8.000000e+00 : f32
        %mul3A_315 = vector.broadcast %mul3A_314 : f32 to vector<16xf32>
        %mul3A_316 = arith.mulf %gather3A_272, %mul3A_315 : vector<16xf32>
        tpu.vector_store_idx %arg11[%shift_right_arithmetic3A_242, %add3A_313], %mul3A_316 : memref<8x1024xf32, #tpu.memory_space<vmem>>[vector<16xi32>, vector<16xi32>], vector<16xf32>,
        %add3A_317 = arith.constant 96 : i32
        %add3A_318 = vector.broadcast %add3A_317 : i32 to vector<16xi32>
        %add3A_319 = arith.addi %add3A_249, %add3A_318 : vector<16xi32>
        %mul3A_320 = arith.constant 8.000000e+00 : f32
        %mul3A_321 = vector.broadcast %mul3A_320 : f32 to vector<16xf32>
        %mul3A_322 = arith.mulf %gather3A_276, %mul3A_321 : vector<16xf32>
        tpu.vector_store_idx %arg11[%shift_right_arithmetic3A_242, %add3A_319], %mul3A_322 : memref<8x1024xf32, #tpu.memory_space<vmem>>[vector<16xi32>, vector<16xi32>], vector<16xf32>,
        %add3A_323 = arith.constant 112 : i32
        %add3A_324 = vector.broadcast %add3A_323 : i32 to vector<16xi32>
        %add3A_325 = arith.addi %add3A_249, %add3A_324 : vector<16xi32>
        %mul3A_326 = arith.constant 8.000000e+00 : f32
        %mul3A_327 = vector.broadcast %mul3A_326 : f32 to vector<16xf32>
        %mul3A_328 = arith.mulf %gather3A_280, %mul3A_327 : vector<16xf32>
        tpu.vector_store_idx %arg11[%shift_right_arithmetic3A_242, %add3A_325], %mul3A_328 : memref<8x1024xf32, #tpu.memory_space<vmem>>[vector<16xi32>, vector<16xi32>], vector<16xf32>,
        %scan3A_329 = arith.constant 1 : i32
        %scan3A_330 = arith.addi %scan3A_229, %scan3A_329 : i32
        %shift_right_arithmetic3A_331 = arith.constant 4 : i32
        %shift_right_arithmetic3A_332 = arith.shrsi %scan3A_330, %shift_right_arithmetic3A_331 : i32
        %shift_left3A_333 = arith.constant 4 : i32
        %shift_left3A_334 = arith.shli %shift_right_arithmetic3A_332, %shift_left3A_333 : i32
        %and3A_335 = arith.constant 15 : i32
        %and3A_336 = arith.andi %scan3A_330, %and3A_335 : i32
        %add3A_337 = vector.broadcast %and3A_336 : i32 to vector<16xi32>
        %add3A_338 = arith.addi %iota3A, %add3A_337 : vector<16xi32>
        %and3A_339 = arith.constant 15 : i32
        %and3A_340 = vector.broadcast %and3A_339 : i32 to vector<16xi32>
        %and3A_341 = arith.andi %add3A_338, %and3A_340 : vector<16xi32>
        %add3A_342 = vector.broadcast %shift_left3A_334 : i32 to vector<16xi32>
        %add3A_343 = arith.addi %add3A_342, %and3A_341 : vector<16xi32>
        %shift_right_arithmetic3A_344 = arith.constant 3 : i32
        %shift_right_arithmetic3A_345 = vector.broadcast %shift_right_arithmetic3A_344 : i32 to vector<16xi32>
        %shift_right_arithmetic3A_346 = arith.shrsi %add3A_343, %shift_right_arithmetic3A_345 : vector<16xi32>
        %and3A_347 = arith.constant 7 : i32
        %and3A_348 = vector.broadcast %and3A_347 : i32 to vector<16xi32>
        %and3A_349 = arith.andi %add3A_343, %and3A_348 : vector<16xi32>
        %shift_left3A_350 = arith.constant 7 : i32
        %shift_left3A_351 = vector.broadcast %shift_left3A_350 : i32 to vector<16xi32>
        %shift_left3A_352 = arith.shli %and3A_349, %shift_left3A_351 : vector<16xi32>
        %add3A_353 = arith.addi %shift_left3A_352, %iota3A : vector<16xi32>
        %add3A_354 = arith.constant 0 : i32
        %add3A_355 = vector.broadcast %add3A_354 : i32 to vector<16xi32>
        %add3A_356 = arith.addi %iota3A, %add3A_355 : vector<16xi32>
        %gather3A_357 = tpu.vector_load_idx %arg7[%add3A_356, %add3A_343] : memref<128x64xf32, #tpu.memory_space<vmem>>[vector<16xi32>, vector<16xi32>], vector<16xf32>,
        %add3A_358 = arith.constant 16 : i32
        %add3A_359 = vector.broadcast %add3A_358 : i32 to vector<16xi32>
        %add3A_360 = arith.addi %iota3A, %add3A_359 : vector<16xi32>
        %gather3A_361 = tpu.vector_load_idx %arg7[%add3A_360, %add3A_343] : memref<128x64xf32, #tpu.memory_space<vmem>>[vector<16xi32>, vector<16xi32>], vector<16xf32>,
        %add3A_362 = arith.constant 32 : i32
        %add3A_363 = vector.broadcast %add3A_362 : i32 to vector<16xi32>
        %add3A_364 = arith.addi %iota3A, %add3A_363 : vector<16xi32>
        %gather3A_365 = tpu.vector_load_idx %arg7[%add3A_364, %add3A_343] : memref<128x64xf32, #tpu.memory_space<vmem>>[vector<16xi32>, vector<16xi32>], vector<16xf32>,
        %add3A_366 = arith.constant 48 : i32
        %add3A_367 = vector.broadcast %add3A_366 : i32 to vector<16xi32>
        %add3A_368 = arith.addi %iota3A, %add3A_367 : vector<16xi32>
        %gather3A_369 = tpu.vector_load_idx %arg7[%add3A_368, %add3A_343] : memref<128x64xf32, #tpu.memory_space<vmem>>[vector<16xi32>, vector<16xi32>], vector<16xf32>,
        %add3A_370 = arith.constant 64 : i32
        %add3A_371 = vector.broadcast %add3A_370 : i32 to vector<16xi32>
        %add3A_372 = arith.addi %iota3A, %add3A_371 : vector<16xi32>
        %gather3A_373 = tpu.vector_load_idx %arg7[%add3A_372, %add3A_343] : memref<128x64xf32, #tpu.memory_space<vmem>>[vector<16xi32>, vector<16xi32>], vector<16xf32>,
        %add3A_374 = arith.constant 80 : i32
        %add3A_375 = vector.broadcast %add3A_374 : i32 to vector<16xi32>
        %add3A_376 = arith.addi %iota3A, %add3A_375 : vector<16xi32>
        %gather3A_377 = tpu.vector_load_idx %arg7[%add3A_376, %add3A_343] : memref<128x64xf32, #tpu.memory_space<vmem>>[vector<16xi32>, vector<16xi32>], vector<16xf32>,
        %add3A_378 = arith.constant 96 : i32
        %add3A_379 = vector.broadcast %add3A_378 : i32 to vector<16xi32>
        %add3A_380 = arith.addi %iota3A, %add3A_379 : vector<16xi32>
        %gather3A_381 = tpu.vector_load_idx %arg7[%add3A_380, %add3A_343] : memref<128x64xf32, #tpu.memory_space<vmem>>[vector<16xi32>, vector<16xi32>], vector<16xf32>,
        %add3A_382 = arith.constant 112 : i32
        %add3A_383 = vector.broadcast %add3A_382 : i32 to vector<16xi32>
        %add3A_384 = arith.addi %iota3A, %add3A_383 : vector<16xi32>
        %gather3A_385 = tpu.vector_load_idx %arg7[%add3A_384, %add3A_343] : memref<128x64xf32, #tpu.memory_space<vmem>>[vector<16xi32>, vector<16xi32>], vector<16xf32>,
        %add3A_386 = arith.constant 0 : i32
        %add3A_387 = vector.broadcast %add3A_386 : i32 to vector<16xi32>
        %add3A_388 = arith.addi %add3A_353, %add3A_387 : vector<16xi32>
        %mul3A_389 = arith.constant 8.000000e+00 : f32
        %mul3A_390 = vector.broadcast %mul3A_389 : f32 to vector<16xf32>
        %mul3A_391 = arith.mulf %gather3A_357, %mul3A_390 : vector<16xf32>
        tpu.vector_store_idx %arg11[%shift_right_arithmetic3A_346, %add3A_388], %mul3A_391 : memref<8x1024xf32, #tpu.memory_space<vmem>>[vector<16xi32>, vector<16xi32>], vector<16xf32>,
        %add3A_392 = arith.constant 16 : i32
        %add3A_393 = vector.broadcast %add3A_392 : i32 to vector<16xi32>
        %add3A_394 = arith.addi %add3A_353, %add3A_393 : vector<16xi32>
        %mul3A_395 = arith.constant 8.000000e+00 : f32
        %mul3A_396 = vector.broadcast %mul3A_395 : f32 to vector<16xf32>
        %mul3A_397 = arith.mulf %gather3A_361, %mul3A_396 : vector<16xf32>
        tpu.vector_store_idx %arg11[%shift_right_arithmetic3A_346, %add3A_394], %mul3A_397 : memref<8x1024xf32, #tpu.memory_space<vmem>>[vector<16xi32>, vector<16xi32>], vector<16xf32>,
        %add3A_398 = arith.constant 32 : i32
        %add3A_399 = vector.broadcast %add3A_398 : i32 to vector<16xi32>
        %add3A_400 = arith.addi %add3A_353, %add3A_399 : vector<16xi32>
        %mul3A_401 = arith.constant 8.000000e+00 : f32
        %mul3A_402 = vector.broadcast %mul3A_401 : f32 to vector<16xf32>
        %mul3A_403 = arith.mulf %gather3A_365, %mul3A_402 : vector<16xf32>
        tpu.vector_store_idx %arg11[%shift_right_arithmetic3A_346, %add3A_400], %mul3A_403 : memref<8x1024xf32, #tpu.memory_space<vmem>>[vector<16xi32>, vector<16xi32>], vector<16xf32>,
        %add3A_404 = arith.constant 48 : i32
        %add3A_405 = vector.broadcast %add3A_404 : i32 to vector<16xi32>
        %add3A_406 = arith.addi %add3A_353, %add3A_405 : vector<16xi32>
        %mul3A_407 = arith.constant 8.000000e+00 : f32
        %mul3A_408 = vector.broadcast %mul3A_407 : f32 to vector<16xf32>
        %mul3A_409 = arith.mulf %gather3A_369, %mul3A_408 : vector<16xf32>
        tpu.vector_store_idx %arg11[%shift_right_arithmetic3A_346, %add3A_406], %mul3A_409 : memref<8x1024xf32, #tpu.memory_space<vmem>>[vector<16xi32>, vector<16xi32>], vector<16xf32>,
        %add3A_410 = arith.constant 64 : i32
        %add3A_411 = vector.broadcast %add3A_410 : i32 to vector<16xi32>
        %add3A_412 = arith.addi %add3A_353, %add3A_411 : vector<16xi32>
        %mul3A_413 = arith.constant 8.000000e+00 : f32
        %mul3A_414 = vector.broadcast %mul3A_413 : f32 to vector<16xf32>
        %mul3A_415 = arith.mulf %gather3A_373, %mul3A_414 : vector<16xf32>
        tpu.vector_store_idx %arg11[%shift_right_arithmetic3A_346, %add3A_412], %mul3A_415 : memref<8x1024xf32, #tpu.memory_space<vmem>>[vector<16xi32>, vector<16xi32>], vector<16xf32>,
        %add3A_416 = arith.constant 80 : i32
        %add3A_417 = vector.broadcast %add3A_416 : i32 to vector<16xi32>
        %add3A_418 = arith.addi %add3A_353, %add3A_417 : vector<16xi32>
        %mul3A_419 = arith.constant 8.000000e+00 : f32
        %mul3A_420 = vector.broadcast %mul3A_419 : f32 to vector<16xf32>
        %mul3A_421 = arith.mulf %gather3A_377, %mul3A_420 : vector<16xf32>
        tpu.vector_store_idx %arg11[%shift_right_arithmetic3A_346, %add3A_418], %mul3A_421 : memref<8x1024xf32, #tpu.memory_space<vmem>>[vector<16xi32>, vector<16xi32>], vector<16xf32>,
        %add3A_422 = arith.constant 96 : i32
        %add3A_423 = vector.broadcast %add3A_422 : i32 to vector<16xi32>
        %add3A_424 = arith.addi %add3A_353, %add3A_423 : vector<16xi32>
        %mul3A_425 = arith.constant 8.000000e+00 : f32
        %mul3A_426 = vector.broadcast %mul3A_425 : f32 to vector<16xf32>
        %mul3A_427 = arith.mulf %gather3A_381, %mul3A_426 : vector<16xf32>
        tpu.vector_store_idx %arg11[%shift_right_arithmetic3A_346, %add3A_424], %mul3A_427 : memref<8x1024xf32, #tpu.memory_space<vmem>>[vector<16xi32>, vector<16xi32>], vector<16xf32>,
        %add3A_428 = arith.constant 112 : i32
        %add3A_429 = vector.broadcast %add3A_428 : i32 to vector<16xi32>
        %add3A_430 = arith.addi %add3A_353, %add3A_429 : vector<16xi32>
        %mul3A_431 = arith.constant 8.000000e+00 : f32
        %mul3A_432 = vector.broadcast %mul3A_431 : f32 to vector<16xf32>
        %mul3A_433 = arith.mulf %gather3A_385, %mul3A_432 : vector<16xf32>
        tpu.vector_store_idx %arg11[%shift_right_arithmetic3A_346, %add3A_430], %mul3A_433 : memref<8x1024xf32, #tpu.memory_space<vmem>>[vector<16xi32>, vector<16xi32>], vector<16xf32>,
      }
      %scan3A_139 = arith.constant 64 : i32
      %dma_start3A_140 = arith.constant 0 : i32
      %dma_start3A_141 = arith.constant 0 : i32
      %dma_start3A_142 = tpu.memref_slice %arg4[%add3A_121, %dma_start3A_140, %add3A, %dma_start3A_141] : memref<200x8x32x1024xf32, #tpu.memory_space<hbm>> -> memref<1x8x1x1024xf32, #tpu.memory_space<hbm>>
      %dma_start3A_143 = tpu.memref_squeeze %dma_start3A_142 : memref<1x8x1x1024xf32, #tpu.memory_space<hbm>> -> memref<8x1024xf32, #tpu.memory_space<hbm>>
      %dma_start3A_144 = arith.constant 0 : i32
      %dma_start3A_145 = arith.constant 0 : i32
      %dma_start3A_146 = tpu.memref_slice %arg4[%add3A_121, %dma_start3A_144, %add3A, %dma_start3A_145] : memref<200x8x32x1024xf32, #tpu.memory_space<hbm>> -> memref<1x8x1x1024xf32, #tpu.memory_space<hbm>>
      %dma_start3A_147 = tpu.memref_squeeze %dma_start3A_146 : memref<1x8x1x1024xf32, #tpu.memory_space<hbm>> -> memref<8x1024xf32, #tpu.memory_space<hbm>>
      tpu.enqueue_dma source(%arg11 : memref<8x1024xf32, #tpu.memory_space<vmem>>) target(%dma_start3A_147 : memref<8x1024xf32, #tpu.memory_space<hbm>>) target_semaphore(%arg19 : memref<!tpu.dma_semaphore, #tpu.memory_space<semaphore_mem>>)
      %add3A_148 = arith.constant 4 : i32
      %add3A_149 = arith.addi %add3A_121, %add3A_148 : i32
      %lt3A_150 = arith.constant 200 : i32
      %lt3A_151 = arith.cmpi slt, %add3A_149, %lt3A_150 : i32
      %convert_element_type3A_152 = arith.extui %lt3A_151 : i1 to i32
      %cond3A_153 = arith.constant 0 : i32
      %cond3A_154 = arith.cmpi ne, %convert_element_type3A_152, %cond3A_153 : i32
      scf.if %cond3A_154 {
        %add3A_229 = arith.constant 4 : i32
        %add3A_230 = arith.addi %add3A_121, %add3A_229 : i32
        %dma_start3A_231 = arith.constant 0 : i32
        %dma_start3A_232 = tpu.memref_slice %arg5[%add3A_230, %dma_start3A_231] : memref<200x128xi32, #tpu.memory_space<vmem>> -> memref<1x128xi32, #tpu.memory_space<vmem>>
        %dma_start3A_233 = tpu.memref_squeeze %dma_start3A_232 : memref<1x128xi32, #tpu.memory_space<vmem>> -> memref<128xi32, #tpu.memory_space<vmem>>
        %dma_start3A_234 = arith.constant 0 : i32
        %dma_start3A_235 = arith.constant 0 : i32
        %dma_start3A_236 = tpu.memref_slice %arg3[%dma_start3A_234, %dma_start3A_235] : memref<1000000x64xf32, #tpu.memory_space<hbm>> -> memref<1000000x64xf32, #tpu.memory_space<hbm>>
        tpu.enqueue_indirect_dma source(%dma_start3A_236 : memref<1000000x64xf32, #tpu.memory_space<hbm>>) target(%arg7 : memref<128x64xf32, #tpu.memory_space<vmem>>) offsets(%dma_start3A_233 : memref<128xi32, #tpu.memory_space<vmem>>) semaphore(%arg15 : memref<!tpu.dma_semaphore, #tpu.memory_space<semaphore_mem>>)
      } else {
      }
      %mul3A_155 = arith.constant 4 : i32
      %mul3A_156 = arith.muli %scan3A_84, %mul3A_155 : i32
      %add3A_157 = arith.constant 2 : i32
      %add3A_158 = arith.addi %mul3A_156, %add3A_157 : i32
      %dma_wait3A_159 = arith.constant 0 : i32
      %dma_wait3A_160 = arith.constant 0 : i32
      %dma_wait3A_161 = tpu.memref_slice %arg5[%dma_wait3A_159, %dma_wait3A_160] : memref<200x128xi32, #tpu.memory_space<vmem>> -> memref<1x128xi32, #tpu.memory_space<vmem>>
      %dma_wait3A_162 = tpu.memref_squeeze %dma_wait3A_161 : memref<1x128xi32, #tpu.memory_space<vmem>> -> memref<128xi32, #tpu.memory_space<vmem>>
      %dma_wait3A_163 = arith.constant 0 : i32
      %dma_wait3A_164 = arith.constant 0 : i32
      %dma_wait3A_165 = tpu.memref_slice %arg3[%dma_wait3A_163, %dma_wait3A_164] : memref<1000000x64xf32, #tpu.memory_space<hbm>> -> memref<1000000x64xf32, #tpu.memory_space<hbm>>
      tpu.wait_indirect_dma semaphore(%arg16 : memref<!tpu.dma_semaphore, #tpu.memory_space<semaphore_mem>>) src(%dma_wait3A_165 : memref<1000000x64xf32, #tpu.memory_space<hbm>>) dst(%arg8 : memref<128x64xf32, #tpu.memory_space<vmem>>)
      %ge3A_166 = arith.constant 4 : i32
      %ge3A_167 = arith.cmpi sge, %add3A_158, %ge3A_166 : i32
      %convert_element_type3A_168 = arith.extui %ge3A_167 : i1 to i32
      %cond3A_169 = arith.constant 0 : i32
      %cond3A_170 = arith.cmpi ne, %convert_element_type3A_168, %cond3A_169 : i32
      scf.if %cond3A_170 {
        %dma_wait3A_229 = arith.constant 0 : i32
        %dma_wait3A_230 = arith.constant 0 : i32
        %dma_wait3A_231 = arith.constant 0 : i32
        %dma_wait3A_232 = arith.constant 0 : i32
        %dma_wait3A_233 = tpu.memref_slice %arg4[%dma_wait3A_229, %dma_wait3A_231, %dma_wait3A_230, %dma_wait3A_232] : memref<200x8x32x1024xf32, #tpu.memory_space<hbm>> -> memref<1x8x1x1024xf32, #tpu.memory_space<hbm>>
        %dma_wait3A_234 = tpu.memref_squeeze %dma_wait3A_233 : memref<1x8x1x1024xf32, #tpu.memory_space<hbm>> -> memref<8x1024xf32, #tpu.memory_space<hbm>>
        %dma_wait3A_235 = arith.constant 0 : i32
        %dma_wait3A_236 = arith.constant 0 : i32
        %dma_wait3A_237 = tpu.memref_slice %arg4[%dma_wait3A_229, %dma_wait3A_235, %dma_wait3A_230, %dma_wait3A_236] : memref<200x8x32x1024xf32, #tpu.memory_space<hbm>> -> memref<1x8x1x1024xf32, #tpu.memory_space<hbm>>
        %dma_wait3A_238 = tpu.memref_squeeze %dma_wait3A_237 : memref<1x8x1x1024xf32, #tpu.memory_space<hbm>> -> memref<8x1024xf32, #tpu.memory_space<hbm>>
        tpu.wait_dma2 semaphore(%arg20 : memref<!tpu.dma_semaphore, #tpu.memory_space<semaphore_mem>>) src(%arg12 : memref<8x1024xf32, #tpu.memory_space<vmem>>) dst(%dma_wait3A_238 : memref<8x1024xf32, #tpu.memory_space<hbm>>)
      } else {
      }
      %scan3A_171 = arith.constant 0 : i32
      %scan3A_172 = arith.constant 0 : i32
      %scan3A_173 = arith.constant 64 : i32
      %scan3A_174 = arith.addi %scan3A_172, %scan3A_173 : i32
      %scan3A_175 = arith.constant 2 : i32
      scf.for %scan3A_229 = %scan3A_172 to %scan3A_174 step %scan3A_175  : i32 {
        %shift_right_arithmetic3A = arith.constant 4 : i32
        %shift_right_arithmetic3A_230 = arith.shrsi %scan3A_229, %shift_right_arithmetic3A : i32
        %shift_left3A = arith.constant 4 : i32
        %shift_left3A_231 = arith.shli %shift_right_arithmetic3A_230, %shift_left3A : i32
        %and3A = arith.constant 15 : i32
        %and3A_232 = arith.andi %scan3A_229, %and3A : i32
        %add3A_233 = vector.broadcast %and3A_232 : i32 to vector<16xi32>
        %add3A_234 = arith.addi %iota3A, %add3A_233 : vector<16xi32>
        %and3A_235 = arith.constant 15 : i32
        %and3A_236 = vector.broadcast %and3A_235 : i32 to vector<16xi32>
        %and3A_237 = arith.andi %add3A_234, %and3A_236 : vector<16xi32>
        %add3A_238 = vector.broadcast %shift_left3A_231 : i32 to vector<16xi32>
        %add3A_239 = arith.addi %add3A_238, %and3A_237 : vector<16xi32>
        %shift_right_arithmetic3A_240 = arith.constant 3 : i32
        %shift_right_arithmetic3A_241 = vector.broadcast %shift_right_arithmetic3A_240 : i32 to vector<16xi32>
        %shift_right_arithmetic3A_242 = arith.shrsi %add3A_239, %shift_right_arithmetic3A_241 : vector<16xi32>
        %and3A_243 = arith.constant 7 : i32
        %and3A_244 = vector.broadcast %and3A_243 : i32 to vector<16xi32>
        %and3A_245 = arith.andi %add3A_239, %and3A_244 : vector<16xi32>
        %shift_left3A_246 = arith.constant 7 : i32
        %shift_left3A_247 = vector.broadcast %shift_left3A_246 : i32 to vector<16xi32>
        %shift_left3A_248 = arith.shli %and3A_245, %shift_left3A_247 : vector<16xi32>
        %add3A_249 = arith.addi %shift_left3A_248, %iota3A : vector<16xi32>
        %add3A_250 = arith.constant 0 : i32
        %add3A_251 = vector.broadcast %add3A_250 : i32 to vector<16xi32>
        %add3A_252 = arith.addi %iota3A, %add3A_251 : vector<16xi32>
        %gather3A = tpu.vector_load_idx %arg8[%add3A_252, %add3A_239] : memref<128x64xf32, #tpu.memory_space<vmem>>[vector<16xi32>, vector<16xi32>], vector<16xf32>,
        %add3A_253 = arith.constant 16 : i32
        %add3A_254 = vector.broadcast %add3A_253 : i32 to vector<16xi32>
        %add3A_255 = arith.addi %iota3A, %add3A_254 : vector<16xi32>
        %gather3A_256 = tpu.vector_load_idx %arg8[%add3A_255, %add3A_239] : memref<128x64xf32, #tpu.memory_space<vmem>>[vector<16xi32>, vector<16xi32>], vector<16xf32>,
        %add3A_257 = arith.constant 32 : i32
        %add3A_258 = vector.broadcast %add3A_257 : i32 to vector<16xi32>
        %add3A_259 = arith.addi %iota3A, %add3A_258 : vector<16xi32>
        %gather3A_260 = tpu.vector_load_idx %arg8[%add3A_259, %add3A_239] : memref<128x64xf32, #tpu.memory_space<vmem>>[vector<16xi32>, vector<16xi32>], vector<16xf32>,
        %add3A_261 = arith.constant 48 : i32
        %add3A_262 = vector.broadcast %add3A_261 : i32 to vector<16xi32>
        %add3A_263 = arith.addi %iota3A, %add3A_262 : vector<16xi32>
        %gather3A_264 = tpu.vector_load_idx %arg8[%add3A_263, %add3A_239] : memref<128x64xf32, #tpu.memory_space<vmem>>[vector<16xi32>, vector<16xi32>], vector<16xf32>,
        %add3A_265 = arith.constant 64 : i32
        %add3A_266 = vector.broadcast %add3A_265 : i32 to vector<16xi32>
        %add3A_267 = arith.addi %iota3A, %add3A_266 : vector<16xi32>
        %gather3A_268 = tpu.vector_load_idx %arg8[%add3A_267, %add3A_239] : memref<128x64xf32, #tpu.memory_space<vmem>>[vector<16xi32>, vector<16xi32>], vector<16xf32>,
        %add3A_269 = arith.constant 80 : i32
        %add3A_270 = vector.broadcast %add3A_269 : i32 to vector<16xi32>
        %add3A_271 = arith.addi %iota3A, %add3A_270 : vector<16xi32>
        %gather3A_272 = tpu.vector_load_idx %arg8[%add3A_271, %add3A_239] : memref<128x64xf32, #tpu.memory_space<vmem>>[vector<16xi32>, vector<16xi32>], vector<16xf32>,
        %add3A_273 = arith.constant 96 : i32
        %add3A_274 = vector.broadcast %add3A_273 : i32 to vector<16xi32>
        %add3A_275 = arith.addi %iota3A, %add3A_274 : vector<16xi32>
        %gather3A_276 = tpu.vector_load_idx %arg8[%add3A_275, %add3A_239] : memref<128x64xf32, #tpu.memory_space<vmem>>[vector<16xi32>, vector<16xi32>], vector<16xf32>,
        %add3A_277 = arith.constant 112 : i32
        %add3A_278 = vector.broadcast %add3A_277 : i32 to vector<16xi32>
        %add3A_279 = arith.addi %iota3A, %add3A_278 : vector<16xi32>
        %gather3A_280 = tpu.vector_load_idx %arg8[%add3A_279, %add3A_239] : memref<128x64xf32, #tpu.memory_space<vmem>>[vector<16xi32>, vector<16xi32>], vector<16xf32>,
        %add3A_281 = arith.constant 0 : i32
        %add3A_282 = vector.broadcast %add3A_281 : i32 to vector<16xi32>
        %add3A_283 = arith.addi %add3A_249, %add3A_282 : vector<16xi32>
        %mul3A_284 = arith.constant 8.000000e+00 : f32
        %mul3A_285 = vector.broadcast %mul3A_284 : f32 to vector<16xf32>
        %mul3A_286 = arith.mulf %gather3A, %mul3A_285 : vector<16xf32>
        tpu.vector_store_idx %arg12[%shift_right_arithmetic3A_242, %add3A_283], %mul3A_286 : memref<8x1024xf32, #tpu.memory_space<vmem>>[vector<16xi32>, vector<16xi32>], vector<16xf32>,
        %add3A_287 = arith.constant 16 : i32
        %add3A_288 = vector.broadcast %add3A_287 : i32 to vector<16xi32>
        %add3A_289 = arith.addi %add3A_249, %add3A_288 : vector<16xi32>
        %mul3A_290 = arith.constant 8.000000e+00 : f32
        %mul3A_291 = vector.broadcast %mul3A_290 : f32 to vector<16xf32>
        %mul3A_292 = arith.mulf %gather3A_256, %mul3A_291 : vector<16xf32>
        tpu.vector_store_idx %arg12[%shift_right_arithmetic3A_242, %add3A_289], %mul3A_292 : memref<8x1024xf32, #tpu.memory_space<vmem>>[vector<16xi32>, vector<16xi32>], vector<16xf32>,
        %add3A_293 = arith.constant 32 : i32
        %add3A_294 = vector.broadcast %add3A_293 : i32 to vector<16xi32>
        %add3A_295 = arith.addi %add3A_249, %add3A_294 : vector<16xi32>
        %mul3A_296 = arith.constant 8.000000e+00 : f32
        %mul3A_297 = vector.broadcast %mul3A_296 : f32 to vector<16xf32>
        %mul3A_298 = arith.mulf %gather3A_260, %mul3A_297 : vector<16xf32>
        tpu.vector_store_idx %arg12[%shift_right_arithmetic3A_242, %add3A_295], %mul3A_298 : memref<8x1024xf32, #tpu.memory_space<vmem>>[vector<16xi32>, vector<16xi32>], vector<16xf32>,
        %add3A_299 = arith.constant 48 : i32
        %add3A_300 = vector.broadcast %add3A_299 : i32 to vector<16xi32>
        %add3A_301 = arith.addi %add3A_249, %add3A_300 : vector<16xi32>
        %mul3A_302 = arith.constant 8.000000e+00 : f32
        %mul3A_303 = vector.broadcast %mul3A_302 : f32 to vector<16xf32>
        %mul3A_304 = arith.mulf %gather3A_264, %mul3A_303 : vector<16xf32>
        tpu.vector_store_idx %arg12[%shift_right_arithmetic3A_242, %add3A_301], %mul3A_304 : memref<8x1024xf32, #tpu.memory_space<vmem>>[vector<16xi32>, vector<16xi32>], vector<16xf32>,
        %add3A_305 = arith.constant 64 : i32
        %add3A_306 = vector.broadcast %add3A_305 : i32 to vector<16xi32>
        %add3A_307 = arith.addi %add3A_249, %add3A_306 : vector<16xi32>
        %mul3A_308 = arith.constant 8.000000e+00 : f32
        %mul3A_309 = vector.broadcast %mul3A_308 : f32 to vector<16xf32>
        %mul3A_310 = arith.mulf %gather3A_268, %mul3A_309 : vector<16xf32>
        tpu.vector_store_idx %arg12[%shift_right_arithmetic3A_242, %add3A_307], %mul3A_310 : memref<8x1024xf32, #tpu.memory_space<vmem>>[vector<16xi32>, vector<16xi32>], vector<16xf32>,
        %add3A_311 = arith.constant 80 : i32
        %add3A_312 = vector.broadcast %add3A_311 : i32 to vector<16xi32>
        %add3A_313 = arith.addi %add3A_249, %add3A_312 : vector<16xi32>
        %mul3A_314 = arith.constant 8.000000e+00 : f32
        %mul3A_315 = vector.broadcast %mul3A_314 : f32 to vector<16xf32>
        %mul3A_316 = arith.mulf %gather3A_272, %mul3A_315 : vector<16xf32>
        tpu.vector_store_idx %arg12[%shift_right_arithmetic3A_242, %add3A_313], %mul3A_316 : memref<8x1024xf32, #tpu.memory_space<vmem>>[vector<16xi32>, vector<16xi32>], vector<16xf32>,
        %add3A_317 = arith.constant 96 : i32
        %add3A_318 = vector.broadcast %add3A_317 : i32 to vector<16xi32>
        %add3A_319 = arith.addi %add3A_249, %add3A_318 : vector<16xi32>
        %mul3A_320 = arith.constant 8.000000e+00 : f32
        %mul3A_321 = vector.broadcast %mul3A_320 : f32 to vector<16xf32>
        %mul3A_322 = arith.mulf %gather3A_276, %mul3A_321 : vector<16xf32>
        tpu.vector_store_idx %arg12[%shift_right_arithmetic3A_242, %add3A_319], %mul3A_322 : memref<8x1024xf32, #tpu.memory_space<vmem>>[vector<16xi32>, vector<16xi32>], vector<16xf32>,
        %add3A_323 = arith.constant 112 : i32
        %add3A_324 = vector.broadcast %add3A_323 : i32 to vector<16xi32>
        %add3A_325 = arith.addi %add3A_249, %add3A_324 : vector<16xi32>
        %mul3A_326 = arith.constant 8.000000e+00 : f32
        %mul3A_327 = vector.broadcast %mul3A_326 : f32 to vector<16xf32>
        %mul3A_328 = arith.mulf %gather3A_280, %mul3A_327 : vector<16xf32>
        tpu.vector_store_idx %arg12[%shift_right_arithmetic3A_242, %add3A_325], %mul3A_328 : memref<8x1024xf32, #tpu.memory_space<vmem>>[vector<16xi32>, vector<16xi32>], vector<16xf32>,
        %scan3A_329 = arith.constant 1 : i32
        %scan3A_330 = arith.addi %scan3A_229, %scan3A_329 : i32
        %shift_right_arithmetic3A_331 = arith.constant 4 : i32
        %shift_right_arithmetic3A_332 = arith.shrsi %scan3A_330, %shift_right_arithmetic3A_331 : i32
        %shift_left3A_333 = arith.constant 4 : i32
        %shift_left3A_334 = arith.shli %shift_right_arithmetic3A_332, %shift_left3A_333 : i32
        %and3A_335 = arith.constant 15 : i32
        %and3A_336 = arith.andi %scan3A_330, %and3A_335 : i32
        %add3A_337 = vector.broadcast %and3A_336 : i32 to vector<16xi32>
        %add3A_338 = arith.addi %iota3A, %add3A_337 : vector<16xi32>
        %and3A_339 = arith.constant 15 : i32
        %and3A_340 = vector.broadcast %and3A_339 : i32 to vector<16xi32>
        %and3A_341 = arith.andi %add3A_338, %and3A_340 : vector<16xi32>
        %add3A_342 = vector.broadcast %shift_left3A_334 : i32 to vector<16xi32>
        %add3A_343 = arith.addi %add3A_342, %and3A_341 : vector<16xi32>
        %shift_right_arithmetic3A_344 = arith.constant 3 : i32
        %shift_right_arithmetic3A_345 = vector.broadcast %shift_right_arithmetic3A_344 : i32 to vector<16xi32>
        %shift_right_arithmetic3A_346 = arith.shrsi %add3A_343, %shift_right_arithmetic3A_345 : vector<16xi32>
        %and3A_347 = arith.constant 7 : i32
        %and3A_348 = vector.broadcast %and3A_347 : i32 to vector<16xi32>
        %and3A_349 = arith.andi %add3A_343, %and3A_348 : vector<16xi32>
        %shift_left3A_350 = arith.constant 7 : i32
        %shift_left3A_351 = vector.broadcast %shift_left3A_350 : i32 to vector<16xi32>
        %shift_left3A_352 = arith.shli %and3A_349, %shift_left3A_351 : vector<16xi32>
        %add3A_353 = arith.addi %shift_left3A_352, %iota3A : vector<16xi32>
        %add3A_354 = arith.constant 0 : i32
        %add3A_355 = vector.broadcast %add3A_354 : i32 to vector<16xi32>
        %add3A_356 = arith.addi %iota3A, %add3A_355 : vector<16xi32>
        %gather3A_357 = tpu.vector_load_idx %arg8[%add3A_356, %add3A_343] : memref<128x64xf32, #tpu.memory_space<vmem>>[vector<16xi32>, vector<16xi32>], vector<16xf32>,
        %add3A_358 = arith.constant 16 : i32
        %add3A_359 = vector.broadcast %add3A_358 : i32 to vector<16xi32>
        %add3A_360 = arith.addi %iota3A, %add3A_359 : vector<16xi32>
        %gather3A_361 = tpu.vector_load_idx %arg8[%add3A_360, %add3A_343] : memref<128x64xf32, #tpu.memory_space<vmem>>[vector<16xi32>, vector<16xi32>], vector<16xf32>,
        %add3A_362 = arith.constant 32 : i32
        %add3A_363 = vector.broadcast %add3A_362 : i32 to vector<16xi32>
        %add3A_364 = arith.addi %iota3A, %add3A_363 : vector<16xi32>
        %gather3A_365 = tpu.vector_load_idx %arg8[%add3A_364, %add3A_343] : memref<128x64xf32, #tpu.memory_space<vmem>>[vector<16xi32>, vector<16xi32>], vector<16xf32>,
        %add3A_366 = arith.constant 48 : i32
        %add3A_367 = vector.broadcast %add3A_366 : i32 to vector<16xi32>
        %add3A_368 = arith.addi %iota3A, %add3A_367 : vector<16xi32>
        %gather3A_369 = tpu.vector_load_idx %arg8[%add3A_368, %add3A_343] : memref<128x64xf32, #tpu.memory_space<vmem>>[vector<16xi32>, vector<16xi32>], vector<16xf32>,
        %add3A_370 = arith.constant 64 : i32
        %add3A_371 = vector.broadcast %add3A_370 : i32 to vector<16xi32>
        %add3A_372 = arith.addi %iota3A, %add3A_371 : vector<16xi32>
        %gather3A_373 = tpu.vector_load_idx %arg8[%add3A_372, %add3A_343] : memref<128x64xf32, #tpu.memory_space<vmem>>[vector<16xi32>, vector<16xi32>], vector<16xf32>,
        %add3A_374 = arith.constant 80 : i32
        %add3A_375 = vector.broadcast %add3A_374 : i32 to vector<16xi32>
        %add3A_376 = arith.addi %iota3A, %add3A_375 : vector<16xi32>
        %gather3A_377 = tpu.vector_load_idx %arg8[%add3A_376, %add3A_343] : memref<128x64xf32, #tpu.memory_space<vmem>>[vector<16xi32>, vector<16xi32>], vector<16xf32>,
        %add3A_378 = arith.constant 96 : i32
        %add3A_379 = vector.broadcast %add3A_378 : i32 to vector<16xi32>
        %add3A_380 = arith.addi %iota3A, %add3A_379 : vector<16xi32>
        %gather3A_381 = tpu.vector_load_idx %arg8[%add3A_380, %add3A_343] : memref<128x64xf32, #tpu.memory_space<vmem>>[vector<16xi32>, vector<16xi32>], vector<16xf32>,
        %add3A_382 = arith.constant 112 : i32
        %add3A_383 = vector.broadcast %add3A_382 : i32 to vector<16xi32>
        %add3A_384 = arith.addi %iota3A, %add3A_383 : vector<16xi32>
        %gather3A_385 = tpu.vector_load_idx %arg8[%add3A_384, %add3A_343] : memref<128x64xf32, #tpu.memory_space<vmem>>[vector<16xi32>, vector<16xi32>], vector<16xf32>,
        %add3A_386 = arith.constant 0 : i32
        %add3A_387 = vector.broadcast %add3A_386 : i32 to vector<16xi32>
        %add3A_388 = arith.addi %add3A_353, %add3A_387 : vector<16xi32>
        %mul3A_389 = arith.constant 8.000000e+00 : f32
        %mul3A_390 = vector.broadcast %mul3A_389 : f32 to vector<16xf32>
        %mul3A_391 = arith.mulf %gather3A_357, %mul3A_390 : vector<16xf32>
        tpu.vector_store_idx %arg12[%shift_right_arithmetic3A_346, %add3A_388], %mul3A_391 : memref<8x1024xf32, #tpu.memory_space<vmem>>[vector<16xi32>, vector<16xi32>], vector<16xf32>,
        %add3A_392 = arith.constant 16 : i32
        %add3A_393 = vector.broadcast %add3A_392 : i32 to vector<16xi32>
        %add3A_394 = arith.addi %add3A_353, %add3A_393 : vector<16xi32>
        %mul3A_395 = arith.constant 8.000000e+00 : f32
        %mul3A_396 = vector.broadcast %mul3A_395 : f32 to vector<16xf32>
        %mul3A_397 = arith.mulf %gather3A_361, %mul3A_396 : vector<16xf32>
        tpu.vector_store_idx %arg12[%shift_right_arithmetic3A_346, %add3A_394], %mul3A_397 : memref<8x1024xf32, #tpu.memory_space<vmem>>[vector<16xi32>, vector<16xi32>], vector<16xf32>,
        %add3A_398 = arith.constant 32 : i32
        %add3A_399 = vector.broadcast %add3A_398 : i32 to vector<16xi32>
        %add3A_400 = arith.addi %add3A_353, %add3A_399 : vector<16xi32>
        %mul3A_401 = arith.constant 8.000000e+00 : f32
        %mul3A_402 = vector.broadcast %mul3A_401 : f32 to vector<16xf32>
        %mul3A_403 = arith.mulf %gather3A_365, %mul3A_402 : vector<16xf32>
        tpu.vector_store_idx %arg12[%shift_right_arithmetic3A_346, %add3A_400], %mul3A_403 : memref<8x1024xf32, #tpu.memory_space<vmem>>[vector<16xi32>, vector<16xi32>], vector<16xf32>,
        %add3A_404 = arith.constant 48 : i32
        %add3A_405 = vector.broadcast %add3A_404 : i32 to vector<16xi32>
        %add3A_406 = arith.addi %add3A_353, %add3A_405 : vector<16xi32>
        %mul3A_407 = arith.constant 8.000000e+00 : f32
        %mul3A_408 = vector.broadcast %mul3A_407 : f32 to vector<16xf32>
        %mul3A_409 = arith.mulf %gather3A_369, %mul3A_408 : vector<16xf32>
        tpu.vector_store_idx %arg12[%shift_right_arithmetic3A_346, %add3A_406], %mul3A_409 : memref<8x1024xf32, #tpu.memory_space<vmem>>[vector<16xi32>, vector<16xi32>], vector<16xf32>,
        %add3A_410 = arith.constant 64 : i32
        %add3A_411 = vector.broadcast %add3A_410 : i32 to vector<16xi32>
        %add3A_412 = arith.addi %add3A_353, %add3A_411 : vector<16xi32>
        %mul3A_413 = arith.constant 8.000000e+00 : f32
        %mul3A_414 = vector.broadcast %mul3A_413 : f32 to vector<16xf32>
        %mul3A_415 = arith.mulf %gather3A_373, %mul3A_414 : vector<16xf32>
        tpu.vector_store_idx %arg12[%shift_right_arithmetic3A_346, %add3A_412], %mul3A_415 : memref<8x1024xf32, #tpu.memory_space<vmem>>[vector<16xi32>, vector<16xi32>], vector<16xf32>,
        %add3A_416 = arith.constant 80 : i32
        %add3A_417 = vector.broadcast %add3A_416 : i32 to vector<16xi32>
        %add3A_418 = arith.addi %add3A_353, %add3A_417 : vector<16xi32>
        %mul3A_419 = arith.constant 8.000000e+00 : f32
        %mul3A_420 = vector.broadcast %mul3A_419 : f32 to vector<16xf32>
        %mul3A_421 = arith.mulf %gather3A_377, %mul3A_420 : vector<16xf32>
        tpu.vector_store_idx %arg12[%shift_right_arithmetic3A_346, %add3A_418], %mul3A_421 : memref<8x1024xf32, #tpu.memory_space<vmem>>[vector<16xi32>, vector<16xi32>], vector<16xf32>,
        %add3A_422 = arith.constant 96 : i32
        %add3A_423 = vector.broadcast %add3A_422 : i32 to vector<16xi32>
        %add3A_424 = arith.addi %add3A_353, %add3A_423 : vector<16xi32>
        %mul3A_425 = arith.constant 8.000000e+00 : f32
        %mul3A_426 = vector.broadcast %mul3A_425 : f32 to vector<16xf32>
        %mul3A_427 = arith.mulf %gather3A_381, %mul3A_426 : vector<16xf32>
        tpu.vector_store_idx %arg12[%shift_right_arithmetic3A_346, %add3A_424], %mul3A_427 : memref<8x1024xf32, #tpu.memory_space<vmem>>[vector<16xi32>, vector<16xi32>], vector<16xf32>,
        %add3A_428 = arith.constant 112 : i32
        %add3A_429 = vector.broadcast %add3A_428 : i32 to vector<16xi32>
        %add3A_430 = arith.addi %add3A_353, %add3A_429 : vector<16xi32>
        %mul3A_431 = arith.constant 8.000000e+00 : f32
        %mul3A_432 = vector.broadcast %mul3A_431 : f32 to vector<16xf32>
        %mul3A_433 = arith.mulf %gather3A_385, %mul3A_432 : vector<16xf32>
        tpu.vector_store_idx %arg12[%shift_right_arithmetic3A_346, %add3A_430], %mul3A_433 : memref<8x1024xf32, #tpu.memory_space<vmem>>[vector<16xi32>, vector<16xi32>], vector<16xf32>,
      }
      %scan3A_176 = arith.constant 64 : i32
      %dma_start3A_177 = arith.constant 0 : i32
      %dma_start3A_178 = arith.constant 0 : i32
      %dma_start3A_179 = tpu.memref_slice %arg4[%add3A_158, %dma_start3A_177, %add3A, %dma_start3A_178] : memref<200x8x32x1024xf32, #tpu.memory_space<hbm>> -> memref<1x8x1x1024xf32, #tpu.memory_space<hbm>>
      %dma_start3A_180 = tpu.memref_squeeze %dma_start3A_179 : memref<1x8x1x1024xf32, #tpu.memory_space<hbm>> -> memref<8x1024xf32, #tpu.memory_space<hbm>>
      %dma_start3A_181 = arith.constant 0 : i32
      %dma_start3A_182 = arith.constant 0 : i32
      %dma_start3A_183 = tpu.memref_slice %arg4[%add3A_158, %dma_start3A_181, %add3A, %dma_start3A_182] : memref<200x8x32x1024xf32, #tpu.memory_space<hbm>> -> memref<1x8x1x1024xf32, #tpu.memory_space<hbm>>
      %dma_start3A_184 = tpu.memref_squeeze %dma_start3A_183 : memref<1x8x1x1024xf32, #tpu.memory_space<hbm>> -> memref<8x1024xf32, #tpu.memory_space<hbm>>
      tpu.enqueue_dma source(%arg12 : memref<8x1024xf32, #tpu.memory_space<vmem>>) target(%dma_start3A_184 : memref<8x1024xf32, #tpu.memory_space<hbm>>) target_semaphore(%arg20 : memref<!tpu.dma_semaphore, #tpu.memory_space<semaphore_mem>>)
      %add3A_185 = arith.constant 4 : i32
      %add3A_186 = arith.addi %add3A_158, %add3A_185 : i32
      %lt3A_187 = arith.constant 200 : i32
      %lt3A_188 = arith.cmpi slt, %add3A_186, %lt3A_187 : i32
      %convert_element_type3A_189 = arith.extui %lt3A_188 : i1 to i32
      %cond3A_190 = arith.constant 0 : i32
      %cond3A_191 = arith.cmpi ne, %convert_element_type3A_189, %cond3A_190 : i32
      scf.if %cond3A_191 {
        %add3A_229 = arith.constant 4 : i32
        %add3A_230 = arith.addi %add3A_158, %add3A_229 : i32
        %dma_start3A_231 = arith.constant 0 : i32
        %dma_start3A_232 = tpu.memref_slice %arg5[%add3A_230, %dma_start3A_231] : memref<200x128xi32, #tpu.memory_space<vmem>> -> memref<1x128xi32, #tpu.memory_space<vmem>>
        %dma_start3A_233 = tpu.memref_squeeze %dma_start3A_232 : memref<1x128xi32, #tpu.memory_space<vmem>> -> memref<128xi32, #tpu.memory_space<vmem>>
        %dma_start3A_234 = arith.constant 0 : i32
        %dma_start3A_235 = arith.constant 0 : i32
        %dma_start3A_236 = tpu.memref_slice %arg3[%dma_start3A_234, %dma_start3A_235] : memref<1000000x64xf32, #tpu.memory_space<hbm>> -> memref<1000000x64xf32, #tpu.memory_space<hbm>>
        tpu.enqueue_indirect_dma source(%dma_start3A_236 : memref<1000000x64xf32, #tpu.memory_space<hbm>>) target(%arg8 : memref<128x64xf32, #tpu.memory_space<vmem>>) offsets(%dma_start3A_233 : memref<128xi32, #tpu.memory_space<vmem>>) semaphore(%arg16 : memref<!tpu.dma_semaphore, #tpu.memory_space<semaphore_mem>>)
      } else {
      }
      %mul3A_192 = arith.constant 4 : i32
      %mul3A_193 = arith.muli %scan3A_84, %mul3A_192 : i32
      %add3A_194 = arith.constant 3 : i32
      %add3A_195 = arith.addi %mul3A_193, %add3A_194 : i32
      %dma_wait3A_196 = arith.constant 0 : i32
      %dma_wait3A_197 = arith.constant 0 : i32
      %dma_wait3A_198 = tpu.memref_slice %arg5[%dma_wait3A_196, %dma_wait3A_197] : memref<200x128xi32, #tpu.memory_space<vmem>> -> memref<1x128xi32, #tpu.memory_space<vmem>>
      %dma_wait3A_199 = tpu.memref_squeeze %dma_wait3A_198 : memref<1x128xi32, #tpu.memory_space<vmem>> -> memref<128xi32, #tpu.memory_space<vmem>>
      %dma_wait3A_200 = arith.constant 0 : i32
      %dma_wait3A_201 = arith.constant 0 : i32
      %dma_wait3A_202 = tpu.memref_slice %arg3[%dma_wait3A_200, %dma_wait3A_201] : memref<1000000x64xf32, #tpu.memory_space<hbm>> -> memref<1000000x64xf32, #tpu.memory_space<hbm>>
      tpu.wait_indirect_dma semaphore(%arg17 : memref<!tpu.dma_semaphore, #tpu.memory_space<semaphore_mem>>) src(%dma_wait3A_202 : memref<1000000x64xf32, #tpu.memory_space<hbm>>) dst(%arg9 : memref<128x64xf32, #tpu.memory_space<vmem>>)
      %ge3A_203 = arith.constant 4 : i32
      %ge3A_204 = arith.cmpi sge, %add3A_195, %ge3A_203 : i32
      %convert_element_type3A_205 = arith.extui %ge3A_204 : i1 to i32
      %cond3A_206 = arith.constant 0 : i32
      %cond3A_207 = arith.cmpi ne, %convert_element_type3A_205, %cond3A_206 : i32
      scf.if %cond3A_207 {
        %dma_wait3A_229 = arith.constant 0 : i32
        %dma_wait3A_230 = arith.constant 0 : i32
        %dma_wait3A_231 = arith.constant 0 : i32
        %dma_wait3A_232 = arith.constant 0 : i32
        %dma_wait3A_233 = tpu.memref_slice %arg4[%dma_wait3A_229, %dma_wait3A_231, %dma_wait3A_230, %dma_wait3A_232] : memref<200x8x32x1024xf32, #tpu.memory_space<hbm>> -> memref<1x8x1x1024xf32, #tpu.memory_space<hbm>>
        %dma_wait3A_234 = tpu.memref_squeeze %dma_wait3A_233 : memref<1x8x1x1024xf32, #tpu.memory_space<hbm>> -> memref<8x1024xf32, #tpu.memory_space<hbm>>
        %dma_wait3A_235 = arith.constant 0 : i32
        %dma_wait3A_236 = arith.constant 0 : i32
        %dma_wait3A_237 = tpu.memref_slice %arg4[%dma_wait3A_229, %dma_wait3A_235, %dma_wait3A_230, %dma_wait3A_236] : memref<200x8x32x1024xf32, #tpu.memory_space<hbm>> -> memref<1x8x1x1024xf32, #tpu.memory_space<hbm>>
        %dma_wait3A_238 = tpu.memref_squeeze %dma_wait3A_237 : memref<1x8x1x1024xf32, #tpu.memory_space<hbm>> -> memref<8x1024xf32, #tpu.memory_space<hbm>>
        tpu.wait_dma2 semaphore(%arg21 : memref<!tpu.dma_semaphore, #tpu.memory_space<semaphore_mem>>) src(%arg13 : memref<8x1024xf32, #tpu.memory_space<vmem>>) dst(%dma_wait3A_238 : memref<8x1024xf32, #tpu.memory_space<hbm>>)
      } else {
      }
      %scan3A_208 = arith.constant 0 : i32
      %scan3A_209 = arith.constant 0 : i32
      %scan3A_210 = arith.constant 64 : i32
      %scan3A_211 = arith.addi %scan3A_209, %scan3A_210 : i32
      %scan3A_212 = arith.constant 2 : i32
      scf.for %scan3A_229 = %scan3A_209 to %scan3A_211 step %scan3A_212  : i32 {
        %shift_right_arithmetic3A = arith.constant 4 : i32
        %shift_right_arithmetic3A_230 = arith.shrsi %scan3A_229, %shift_right_arithmetic3A : i32
        %shift_left3A = arith.constant 4 : i32
        %shift_left3A_231 = arith.shli %shift_right_arithmetic3A_230, %shift_left3A : i32
        %and3A = arith.constant 15 : i32
        %and3A_232 = arith.andi %scan3A_229, %and3A : i32
        %add3A_233 = vector.broadcast %and3A_232 : i32 to vector<16xi32>
        %add3A_234 = arith.addi %iota3A, %add3A_233 : vector<16xi32>
        %and3A_235 = arith.constant 15 : i32
        %and3A_236 = vector.broadcast %and3A_235 : i32 to vector<16xi32>
        %and3A_237 = arith.andi %add3A_234, %and3A_236 : vector<16xi32>
        %add3A_238 = vector.broadcast %shift_left3A_231 : i32 to vector<16xi32>
        %add3A_239 = arith.addi %add3A_238, %and3A_237 : vector<16xi32>
        %shift_right_arithmetic3A_240 = arith.constant 3 : i32
        %shift_right_arithmetic3A_241 = vector.broadcast %shift_right_arithmetic3A_240 : i32 to vector<16xi32>
        %shift_right_arithmetic3A_242 = arith.shrsi %add3A_239, %shift_right_arithmetic3A_241 : vector<16xi32>
        %and3A_243 = arith.constant 7 : i32
        %and3A_244 = vector.broadcast %and3A_243 : i32 to vector<16xi32>
        %and3A_245 = arith.andi %add3A_239, %and3A_244 : vector<16xi32>
        %shift_left3A_246 = arith.constant 7 : i32
        %shift_left3A_247 = vector.broadcast %shift_left3A_246 : i32 to vector<16xi32>
        %shift_left3A_248 = arith.shli %and3A_245, %shift_left3A_247 : vector<16xi32>
        %add3A_249 = arith.addi %shift_left3A_248, %iota3A : vector<16xi32>
        %add3A_250 = arith.constant 0 : i32
        %add3A_251 = vector.broadcast %add3A_250 : i32 to vector<16xi32>
        %add3A_252 = arith.addi %iota3A, %add3A_251 : vector<16xi32>
        %gather3A = tpu.vector_load_idx %arg9[%add3A_252, %add3A_239] : memref<128x64xf32, #tpu.memory_space<vmem>>[vector<16xi32>, vector<16xi32>], vector<16xf32>,
        %add3A_253 = arith.constant 16 : i32
        %add3A_254 = vector.broadcast %add3A_253 : i32 to vector<16xi32>
        %add3A_255 = arith.addi %iota3A, %add3A_254 : vector<16xi32>
        %gather3A_256 = tpu.vector_load_idx %arg9[%add3A_255, %add3A_239] : memref<128x64xf32, #tpu.memory_space<vmem>>[vector<16xi32>, vector<16xi32>], vector<16xf32>,
        %add3A_257 = arith.constant 32 : i32
        %add3A_258 = vector.broadcast %add3A_257 : i32 to vector<16xi32>
        %add3A_259 = arith.addi %iota3A, %add3A_258 : vector<16xi32>
        %gather3A_260 = tpu.vector_load_idx %arg9[%add3A_259, %add3A_239] : memref<128x64xf32, #tpu.memory_space<vmem>>[vector<16xi32>, vector<16xi32>], vector<16xf32>,
        %add3A_261 = arith.constant 48 : i32
        %add3A_262 = vector.broadcast %add3A_261 : i32 to vector<16xi32>
        %add3A_263 = arith.addi %iota3A, %add3A_262 : vector<16xi32>
        %gather3A_264 = tpu.vector_load_idx %arg9[%add3A_263, %add3A_239] : memref<128x64xf32, #tpu.memory_space<vmem>>[vector<16xi32>, vector<16xi32>], vector<16xf32>,
        %add3A_265 = arith.constant 64 : i32
        %add3A_266 = vector.broadcast %add3A_265 : i32 to vector<16xi32>
        %add3A_267 = arith.addi %iota3A, %add3A_266 : vector<16xi32>
        %gather3A_268 = tpu.vector_load_idx %arg9[%add3A_267, %add3A_239] : memref<128x64xf32, #tpu.memory_space<vmem>>[vector<16xi32>, vector<16xi32>], vector<16xf32>,
        %add3A_269 = arith.constant 80 : i32
        %add3A_270 = vector.broadcast %add3A_269 : i32 to vector<16xi32>
        %add3A_271 = arith.addi %iota3A, %add3A_270 : vector<16xi32>
        %gather3A_272 = tpu.vector_load_idx %arg9[%add3A_271, %add3A_239] : memref<128x64xf32, #tpu.memory_space<vmem>>[vector<16xi32>, vector<16xi32>], vector<16xf32>,
        %add3A_273 = arith.constant 96 : i32
        %add3A_274 = vector.broadcast %add3A_273 : i32 to vector<16xi32>
        %add3A_275 = arith.addi %iota3A, %add3A_274 : vector<16xi32>
        %gather3A_276 = tpu.vector_load_idx %arg9[%add3A_275, %add3A_239] : memref<128x64xf32, #tpu.memory_space<vmem>>[vector<16xi32>, vector<16xi32>], vector<16xf32>,
        %add3A_277 = arith.constant 112 : i32
        %add3A_278 = vector.broadcast %add3A_277 : i32 to vector<16xi32>
        %add3A_279 = arith.addi %iota3A, %add3A_278 : vector<16xi32>
        %gather3A_280 = tpu.vector_load_idx %arg9[%add3A_279, %add3A_239] : memref<128x64xf32, #tpu.memory_space<vmem>>[vector<16xi32>, vector<16xi32>], vector<16xf32>,
        %add3A_281 = arith.constant 0 : i32
        %add3A_282 = vector.broadcast %add3A_281 : i32 to vector<16xi32>
        %add3A_283 = arith.addi %add3A_249, %add3A_282 : vector<16xi32>
        %mul3A_284 = arith.constant 8.000000e+00 : f32
        %mul3A_285 = vector.broadcast %mul3A_284 : f32 to vector<16xf32>
        %mul3A_286 = arith.mulf %gather3A, %mul3A_285 : vector<16xf32>
        tpu.vector_store_idx %arg13[%shift_right_arithmetic3A_242, %add3A_283], %mul3A_286 : memref<8x1024xf32, #tpu.memory_space<vmem>>[vector<16xi32>, vector<16xi32>], vector<16xf32>,
        %add3A_287 = arith.constant 16 : i32
        %add3A_288 = vector.broadcast %add3A_287 : i32 to vector<16xi32>
        %add3A_289 = arith.addi %add3A_249, %add3A_288 : vector<16xi32>
        %mul3A_290 = arith.constant 8.000000e+00 : f32
        %mul3A_291 = vector.broadcast %mul3A_290 : f32 to vector<16xf32>
        %mul3A_292 = arith.mulf %gather3A_256, %mul3A_291 : vector<16xf32>
        tpu.vector_store_idx %arg13[%shift_right_arithmetic3A_242, %add3A_289], %mul3A_292 : memref<8x1024xf32, #tpu.memory_space<vmem>>[vector<16xi32>, vector<16xi32>], vector<16xf32>,
        %add3A_293 = arith.constant 32 : i32
        %add3A_294 = vector.broadcast %add3A_293 : i32 to vector<16xi32>
        %add3A_295 = arith.addi %add3A_249, %add3A_294 : vector<16xi32>
        %mul3A_296 = arith.constant 8.000000e+00 : f32
        %mul3A_297 = vector.broadcast %mul3A_296 : f32 to vector<16xf32>
        %mul3A_298 = arith.mulf %gather3A_260, %mul3A_297 : vector<16xf32>
        tpu.vector_store_idx %arg13[%shift_right_arithmetic3A_242, %add3A_295], %mul3A_298 : memref<8x1024xf32, #tpu.memory_space<vmem>>[vector<16xi32>, vector<16xi32>], vector<16xf32>,
        %add3A_299 = arith.constant 48 : i32
        %add3A_300 = vector.broadcast %add3A_299 : i32 to vector<16xi32>
        %add3A_301 = arith.addi %add3A_249, %add3A_300 : vector<16xi32>
        %mul3A_302 = arith.constant 8.000000e+00 : f32
        %mul3A_303 = vector.broadcast %mul3A_302 : f32 to vector<16xf32>
        %mul3A_304 = arith.mulf %gather3A_264, %mul3A_303 : vector<16xf32>
        tpu.vector_store_idx %arg13[%shift_right_arithmetic3A_242, %add3A_301], %mul3A_304 : memref<8x1024xf32, #tpu.memory_space<vmem>>[vector<16xi32>, vector<16xi32>], vector<16xf32>,
        %add3A_305 = arith.constant 64 : i32
        %add3A_306 = vector.broadcast %add3A_305 : i32 to vector<16xi32>
        %add3A_307 = arith.addi %add3A_249, %add3A_306 : vector<16xi32>
        %mul3A_308 = arith.constant 8.000000e+00 : f32
        %mul3A_309 = vector.broadcast %mul3A_308 : f32 to vector<16xf32>
        %mul3A_310 = arith.mulf %gather3A_268, %mul3A_309 : vector<16xf32>
        tpu.vector_store_idx %arg13[%shift_right_arithmetic3A_242, %add3A_307], %mul3A_310 : memref<8x1024xf32, #tpu.memory_space<vmem>>[vector<16xi32>, vector<16xi32>], vector<16xf32>,
        %add3A_311 = arith.constant 80 : i32
        %add3A_312 = vector.broadcast %add3A_311 : i32 to vector<16xi32>
        %add3A_313 = arith.addi %add3A_249, %add3A_312 : vector<16xi32>
        %mul3A_314 = arith.constant 8.000000e+00 : f32
        %mul3A_315 = vector.broadcast %mul3A_314 : f32 to vector<16xf32>
        %mul3A_316 = arith.mulf %gather3A_272, %mul3A_315 : vector<16xf32>
        tpu.vector_store_idx %arg13[%shift_right_arithmetic3A_242, %add3A_313], %mul3A_316 : memref<8x1024xf32, #tpu.memory_space<vmem>>[vector<16xi32>, vector<16xi32>], vector<16xf32>,
        %add3A_317 = arith.constant 96 : i32
        %add3A_318 = vector.broadcast %add3A_317 : i32 to vector<16xi32>
        %add3A_319 = arith.addi %add3A_249, %add3A_318 : vector<16xi32>
        %mul3A_320 = arith.constant 8.000000e+00 : f32
        %mul3A_321 = vector.broadcast %mul3A_320 : f32 to vector<16xf32>
        %mul3A_322 = arith.mulf %gather3A_276, %mul3A_321 : vector<16xf32>
        tpu.vector_store_idx %arg13[%shift_right_arithmetic3A_242, %add3A_319], %mul3A_322 : memref<8x1024xf32, #tpu.memory_space<vmem>>[vector<16xi32>, vector<16xi32>], vector<16xf32>,
        %add3A_323 = arith.constant 112 : i32
        %add3A_324 = vector.broadcast %add3A_323 : i32 to vector<16xi32>
        %add3A_325 = arith.addi %add3A_249, %add3A_324 : vector<16xi32>
        %mul3A_326 = arith.constant 8.000000e+00 : f32
        %mul3A_327 = vector.broadcast %mul3A_326 : f32 to vector<16xf32>
        %mul3A_328 = arith.mulf %gather3A_280, %mul3A_327 : vector<16xf32>
        tpu.vector_store_idx %arg13[%shift_right_arithmetic3A_242, %add3A_325], %mul3A_328 : memref<8x1024xf32, #tpu.memory_space<vmem>>[vector<16xi32>, vector<16xi32>], vector<16xf32>,
        %scan3A_329 = arith.constant 1 : i32
        %scan3A_330 = arith.addi %scan3A_229, %scan3A_329 : i32
        %shift_right_arithmetic3A_331 = arith.constant 4 : i32
        %shift_right_arithmetic3A_332 = arith.shrsi %scan3A_330, %shift_right_arithmetic3A_331 : i32
        %shift_left3A_333 = arith.constant 4 : i32
        %shift_left3A_334 = arith.shli %shift_right_arithmetic3A_332, %shift_left3A_333 : i32
        %and3A_335 = arith.constant 15 : i32
        %and3A_336 = arith.andi %scan3A_330, %and3A_335 : i32
        %add3A_337 = vector.broadcast %and3A_336 : i32 to vector<16xi32>
        %add3A_338 = arith.addi %iota3A, %add3A_337 : vector<16xi32>
        %and3A_339 = arith.constant 15 : i32
        %and3A_340 = vector.broadcast %and3A_339 : i32 to vector<16xi32>
        %and3A_341 = arith.andi %add3A_338, %and3A_340 : vector<16xi32>
        %add3A_342 = vector.broadcast %shift_left3A_334 : i32 to vector<16xi32>
        %add3A_343 = arith.addi %add3A_342, %and3A_341 : vector<16xi32>
        %shift_right_arithmetic3A_344 = arith.constant 3 : i32
        %shift_right_arithmetic3A_345 = vector.broadcast %shift_right_arithmetic3A_344 : i32 to vector<16xi32>
        %shift_right_arithmetic3A_346 = arith.shrsi %add3A_343, %shift_right_arithmetic3A_345 : vector<16xi32>
        %and3A_347 = arith.constant 7 : i32
        %and3A_348 = vector.broadcast %and3A_347 : i32 to vector<16xi32>
        %and3A_349 = arith.andi %add3A_343, %and3A_348 : vector<16xi32>
        %shift_left3A_350 = arith.constant 7 : i32
        %shift_left3A_351 = vector.broadcast %shift_left3A_350 : i32 to vector<16xi32>
        %shift_left3A_352 = arith.shli %and3A_349, %shift_left3A_351 : vector<16xi32>
        %add3A_353 = arith.addi %shift_left3A_352, %iota3A : vector<16xi32>
        %add3A_354 = arith.constant 0 : i32
        %add3A_355 = vector.broadcast %add3A_354 : i32 to vector<16xi32>
        %add3A_356 = arith.addi %iota3A, %add3A_355 : vector<16xi32>
        %gather3A_357 = tpu.vector_load_idx %arg9[%add3A_356, %add3A_343] : memref<128x64xf32, #tpu.memory_space<vmem>>[vector<16xi32>, vector<16xi32>], vector<16xf32>,
        %add3A_358 = arith.constant 16 : i32
        %add3A_359 = vector.broadcast %add3A_358 : i32 to vector<16xi32>
        %add3A_360 = arith.addi %iota3A, %add3A_359 : vector<16xi32>
        %gather3A_361 = tpu.vector_load_idx %arg9[%add3A_360, %add3A_343] : memref<128x64xf32, #tpu.memory_space<vmem>>[vector<16xi32>, vector<16xi32>], vector<16xf32>,
        %add3A_362 = arith.constant 32 : i32
        %add3A_363 = vector.broadcast %add3A_362 : i32 to vector<16xi32>
        %add3A_364 = arith.addi %iota3A, %add3A_363 : vector<16xi32>
        %gather3A_365 = tpu.vector_load_idx %arg9[%add3A_364, %add3A_343] : memref<128x64xf32, #tpu.memory_space<vmem>>[vector<16xi32>, vector<16xi32>], vector<16xf32>,
        %add3A_366 = arith.constant 48 : i32
        %add3A_367 = vector.broadcast %add3A_366 : i32 to vector<16xi32>
        %add3A_368 = arith.addi %iota3A, %add3A_367 : vector<16xi32>
        %gather3A_369 = tpu.vector_load_idx %arg9[%add3A_368, %add3A_343] : memref<128x64xf32, #tpu.memory_space<vmem>>[vector<16xi32>, vector<16xi32>], vector<16xf32>,
        %add3A_370 = arith.constant 64 : i32
        %add3A_371 = vector.broadcast %add3A_370 : i32 to vector<16xi32>
        %add3A_372 = arith.addi %iota3A, %add3A_371 : vector<16xi32>
        %gather3A_373 = tpu.vector_load_idx %arg9[%add3A_372, %add3A_343] : memref<128x64xf32, #tpu.memory_space<vmem>>[vector<16xi32>, vector<16xi32>], vector<16xf32>,
        %add3A_374 = arith.constant 80 : i32
        %add3A_375 = vector.broadcast %add3A_374 : i32 to vector<16xi32>
        %add3A_376 = arith.addi %iota3A, %add3A_375 : vector<16xi32>
        %gather3A_377 = tpu.vector_load_idx %arg9[%add3A_376, %add3A_343] : memref<128x64xf32, #tpu.memory_space<vmem>>[vector<16xi32>, vector<16xi32>], vector<16xf32>,
        %add3A_378 = arith.constant 96 : i32
        %add3A_379 = vector.broadcast %add3A_378 : i32 to vector<16xi32>
        %add3A_380 = arith.addi %iota3A, %add3A_379 : vector<16xi32>
        %gather3A_381 = tpu.vector_load_idx %arg9[%add3A_380, %add3A_343] : memref<128x64xf32, #tpu.memory_space<vmem>>[vector<16xi32>, vector<16xi32>], vector<16xf32>,
        %add3A_382 = arith.constant 112 : i32
        %add3A_383 = vector.broadcast %add3A_382 : i32 to vector<16xi32>
        %add3A_384 = arith.addi %iota3A, %add3A_383 : vector<16xi32>
        %gather3A_385 = tpu.vector_load_idx %arg9[%add3A_384, %add3A_343] : memref<128x64xf32, #tpu.memory_space<vmem>>[vector<16xi32>, vector<16xi32>], vector<16xf32>,
        %add3A_386 = arith.constant 0 : i32
        %add3A_387 = vector.broadcast %add3A_386 : i32 to vector<16xi32>
        %add3A_388 = arith.addi %add3A_353, %add3A_387 : vector<16xi32>
        %mul3A_389 = arith.constant 8.000000e+00 : f32
        %mul3A_390 = vector.broadcast %mul3A_389 : f32 to vector<16xf32>
        %mul3A_391 = arith.mulf %gather3A_357, %mul3A_390 : vector<16xf32>
        tpu.vector_store_idx %arg13[%shift_right_arithmetic3A_346, %add3A_388], %mul3A_391 : memref<8x1024xf32, #tpu.memory_space<vmem>>[vector<16xi32>, vector<16xi32>], vector<16xf32>,
        %add3A_392 = arith.constant 16 : i32
        %add3A_393 = vector.broadcast %add3A_392 : i32 to vector<16xi32>
        %add3A_394 = arith.addi %add3A_353, %add3A_393 : vector<16xi32>
        %mul3A_395 = arith.constant 8.000000e+00 : f32
        %mul3A_396 = vector.broadcast %mul3A_395 : f32 to vector<16xf32>
        %mul3A_397 = arith.mulf %gather3A_361, %mul3A_396 : vector<16xf32>
        tpu.vector_store_idx %arg13[%shift_right_arithmetic3A_346, %add3A_394], %mul3A_397 : memref<8x1024xf32, #tpu.memory_space<vmem>>[vector<16xi32>, vector<16xi32>], vector<16xf32>,
        %add3A_398 = arith.constant 32 : i32
        %add3A_399 = vector.broadcast %add3A_398 : i32 to vector<16xi32>
        %add3A_400 = arith.addi %add3A_353, %add3A_399 : vector<16xi32>
        %mul3A_401 = arith.constant 8.000000e+00 : f32
        %mul3A_402 = vector.broadcast %mul3A_401 : f32 to vector<16xf32>
        %mul3A_403 = arith.mulf %gather3A_365, %mul3A_402 : vector<16xf32>
        tpu.vector_store_idx %arg13[%shift_right_arithmetic3A_346, %add3A_400], %mul3A_403 : memref<8x1024xf32, #tpu.memory_space<vmem>>[vector<16xi32>, vector<16xi32>], vector<16xf32>,
        %add3A_404 = arith.constant 48 : i32
        %add3A_405 = vector.broadcast %add3A_404 : i32 to vector<16xi32>
        %add3A_406 = arith.addi %add3A_353, %add3A_405 : vector<16xi32>
        %mul3A_407 = arith.constant 8.000000e+00 : f32
        %mul3A_408 = vector.broadcast %mul3A_407 : f32 to vector<16xf32>
        %mul3A_409 = arith.mulf %gather3A_369, %mul3A_408 : vector<16xf32>
        tpu.vector_store_idx %arg13[%shift_right_arithmetic3A_346, %add3A_406], %mul3A_409 : memref<8x1024xf32, #tpu.memory_space<vmem>>[vector<16xi32>, vector<16xi32>], vector<16xf32>,
        %add3A_410 = arith.constant 64 : i32
        %add3A_411 = vector.broadcast %add3A_410 : i32 to vector<16xi32>
        %add3A_412 = arith.addi %add3A_353, %add3A_411 : vector<16xi32>
        %mul3A_413 = arith.constant 8.000000e+00 : f32
        %mul3A_414 = vector.broadcast %mul3A_413 : f32 to vector<16xf32>
        %mul3A_415 = arith.mulf %gather3A_373, %mul3A_414 : vector<16xf32>
        tpu.vector_store_idx %arg13[%shift_right_arithmetic3A_346, %add3A_412], %mul3A_415 : memref<8x1024xf32, #tpu.memory_space<vmem>>[vector<16xi32>, vector<16xi32>], vector<16xf32>,
        %add3A_416 = arith.constant 80 : i32
        %add3A_417 = vector.broadcast %add3A_416 : i32 to vector<16xi32>
        %add3A_418 = arith.addi %add3A_353, %add3A_417 : vector<16xi32>
        %mul3A_419 = arith.constant 8.000000e+00 : f32
        %mul3A_420 = vector.broadcast %mul3A_419 : f32 to vector<16xf32>
        %mul3A_421 = arith.mulf %gather3A_377, %mul3A_420 : vector<16xf32>
        tpu.vector_store_idx %arg13[%shift_right_arithmetic3A_346, %add3A_418], %mul3A_421 : memref<8x1024xf32, #tpu.memory_space<vmem>>[vector<16xi32>, vector<16xi32>], vector<16xf32>,
        %add3A_422 = arith.constant 96 : i32
        %add3A_423 = vector.broadcast %add3A_422 : i32 to vector<16xi32>
        %add3A_424 = arith.addi %add3A_353, %add3A_423 : vector<16xi32>
        %mul3A_425 = arith.constant 8.000000e+00 : f32
        %mul3A_426 = vector.broadcast %mul3A_425 : f32 to vector<16xf32>
        %mul3A_427 = arith.mulf %gather3A_381, %mul3A_426 : vector<16xf32>
        tpu.vector_store_idx %arg13[%shift_right_arithmetic3A_346, %add3A_424], %mul3A_427 : memref<8x1024xf32, #tpu.memory_space<vmem>>[vector<16xi32>, vector<16xi32>], vector<16xf32>,
        %add3A_428 = arith.constant 112 : i32
        %add3A_429 = vector.broadcast %add3A_428 : i32 to vector<16xi32>
        %add3A_430 = arith.addi %add3A_353, %add3A_429 : vector<16xi32>
        %mul3A_431 = arith.constant 8.000000e+00 : f32
        %mul3A_432 = vector.broadcast %mul3A_431 : f32 to vector<16xf32>
        %mul3A_433 = arith.mulf %gather3A_385, %mul3A_432 : vector<16xf32>
        tpu.vector_store_idx %arg13[%shift_right_arithmetic3A_346, %add3A_430], %mul3A_433 : memref<8x1024xf32, #tpu.memory_space<vmem>>[vector<16xi32>, vector<16xi32>], vector<16xf32>,
      }
      %scan3A_213 = arith.constant 64 : i32
      %dma_start3A_214 = arith.constant 0 : i32
      %dma_start3A_215 = arith.constant 0 : i32
      %dma_start3A_216 = tpu.memref_slice %arg4[%add3A_195, %dma_start3A_214, %add3A, %dma_start3A_215] : memref<200x8x32x1024xf32, #tpu.memory_space<hbm>> -> memref<1x8x1x1024xf32, #tpu.memory_space<hbm>>
      %dma_start3A_217 = tpu.memref_squeeze %dma_start3A_216 : memref<1x8x1x1024xf32, #tpu.memory_space<hbm>> -> memref<8x1024xf32, #tpu.memory_space<hbm>>
      %dma_start3A_218 = arith.constant 0 : i32
      %dma_start3A_219 = arith.constant 0 : i32
      %dma_start3A_220 = tpu.memref_slice %arg4[%add3A_195, %dma_start3A_218, %add3A, %dma_start3A_219] : memref<200x8x32x1024xf32, #tpu.memory_space<hbm>> -> memref<1x8x1x1024xf32, #tpu.memory_space<hbm>>
      %dma_start3A_221 = tpu.memref_squeeze %dma_start3A_220 : memref<1x8x1x1024xf32, #tpu.memory_space<hbm>> -> memref<8x1024xf32, #tpu.memory_space<hbm>>
      tpu.enqueue_dma source(%arg13 : memref<8x1024xf32, #tpu.memory_space<vmem>>) target(%dma_start3A_221 : memref<8x1024xf32, #tpu.memory_space<hbm>>) target_semaphore(%arg21 : memref<!tpu.dma_semaphore, #tpu.memory_space<semaphore_mem>>)
      %add3A_222 = arith.constant 4 : i32
      %add3A_223 = arith.addi %add3A_195, %add3A_222 : i32
      %lt3A_224 = arith.constant 200 : i32
      %lt3A_225 = arith.cmpi slt, %add3A_223, %lt3A_224 : i32
      %convert_element_type3A_226 = arith.extui %lt3A_225 : i1 to i32
      %cond3A_227 = arith.constant 0 : i32
      %cond3A_228 = arith.cmpi ne, %convert_element_type3A_226, %cond3A_227 : i32
      scf.if %cond3A_228 {
        %add3A_229 = arith.constant 4 : i32
        %add3A_230 = arith.addi %add3A_195, %add3A_229 : i32
        %dma_start3A_231 = arith.constant 0 : i32
        %dma_start3A_232 = tpu.memref_slice %arg5[%add3A_230, %dma_start3A_231] : memref<200x128xi32, #tpu.memory_space<vmem>> -> memref<1x128xi32, #tpu.memory_space<vmem>>
        %dma_start3A_233 = tpu.memref_squeeze %dma_start3A_232 : memref<1x128xi32, #tpu.memory_space<vmem>> -> memref<128xi32, #tpu.memory_space<vmem>>
        %dma_start3A_234 = arith.constant 0 : i32
        %dma_start3A_235 = arith.constant 0 : i32
        %dma_start3A_236 = tpu.memref_slice %arg3[%dma_start3A_234, %dma_start3A_235] : memref<1000000x64xf32, #tpu.memory_space<hbm>> -> memref<1000000x64xf32, #tpu.memory_space<hbm>>
        tpu.enqueue_indirect_dma source(%dma_start3A_236 : memref<1000000x64xf32, #tpu.memory_space<hbm>>) target(%arg9 : memref<128x64xf32, #tpu.memory_space<vmem>>) offsets(%dma_start3A_233 : memref<128xi32, #tpu.memory_space<vmem>>) semaphore(%arg17 : memref<!tpu.dma_semaphore, #tpu.memory_space<semaphore_mem>>)
      } else {
      }
    }
    %scan3A_43 = arith.constant 50 : i32
    %dma_wait3A_44 = arith.constant 0 : i32
    %dma_wait3A_45 = arith.constant 0 : i32
    %dma_wait3A_46 = arith.constant 0 : i32
    %dma_wait3A_47 = arith.constant 0 : i32
    %dma_wait3A_48 = tpu.memref_slice %arg4[%dma_wait3A_44, %dma_wait3A_46, %dma_wait3A_45, %dma_wait3A_47] : memref<200x8x32x1024xf32, #tpu.memory_space<hbm>> -> memref<1x8x1x1024xf32, #tpu.memory_space<hbm>>
    %dma_wait3A_49 = tpu.memref_squeeze %dma_wait3A_48 : memref<1x8x1x1024xf32, #tpu.memory_space<hbm>> -> memref<8x1024xf32, #tpu.memory_space<hbm>>
    %dma_wait3A_50 = arith.constant 0 : i32
    %dma_wait3A_51 = arith.constant 0 : i32
    %dma_wait3A_52 = tpu.memref_slice %arg4[%dma_wait3A_44, %dma_wait3A_50, %dma_wait3A_45, %dma_wait3A_51] : memref<200x8x32x1024xf32, #tpu.memory_space<hbm>> -> memref<1x8x1x1024xf32, #tpu.memory_space<hbm>>
    %dma_wait3A_53 = tpu.memref_squeeze %dma_wait3A_52 : memref<1x8x1x1024xf32, #tpu.memory_space<hbm>> -> memref<8x1024xf32, #tpu.memory_space<hbm>>
    tpu.wait_dma2 semaphore(%arg18 : memref<!tpu.dma_semaphore, #tpu.memory_space<semaphore_mem>>) src(%arg10 : memref<8x1024xf32, #tpu.memory_space<vmem>>) dst(%dma_wait3A_53 : memref<8x1024xf32, #tpu.memory_space<hbm>>)
    %dma_wait3A_54 = arith.constant 0 : i32
    %dma_wait3A_55 = arith.constant 0 : i32
    %dma_wait3A_56 = arith.constant 0 : i32
    %dma_wait3A_57 = arith.constant 0 : i32
    %dma_wait3A_58 = tpu.memref_slice %arg4[%dma_wait3A_54, %dma_wait3A_56, %dma_wait3A_55, %dma_wait3A_57] : memref<200x8x32x1024xf32, #tpu.memory_space<hbm>> -> memref<1x8x1x1024xf32, #tpu.memory_space<hbm>>
    %dma_wait3A_59 = tpu.memref_squeeze %dma_wait3A_58 : memref<1x8x1x1024xf32, #tpu.memory_space<hbm>> -> memref<8x1024xf32, #tpu.memory_space<hbm>>
    %dma_wait3A_60 = arith.constant 0 : i32
    %dma_wait3A_61 = arith.constant 0 : i32
    %dma_wait3A_62 = tpu.memref_slice %arg4[%dma_wait3A_54, %dma_wait3A_60, %dma_wait3A_55, %dma_wait3A_61] : memref<200x8x32x1024xf32, #tpu.memory_space<hbm>> -> memref<1x8x1x1024xf32, #tpu.memory_space<hbm>>
    %dma_wait3A_63 = tpu.memref_squeeze %dma_wait3A_62 : memref<1x8x1x1024xf32, #tpu.memory_space<hbm>> -> memref<8x1024xf32, #tpu.memory_space<hbm>>
    tpu.wait_dma2 semaphore(%arg19 : memref<!tpu.dma_semaphore, #tpu.memory_space<semaphore_mem>>) src(%arg11 : memref<8x1024xf32, #tpu.memory_space<vmem>>) dst(%dma_wait3A_63 : memref<8x1024xf32, #tpu.memory_space<hbm>>)
    %dma_wait3A_64 = arith.constant 0 : i32
    %dma_wait3A_65 = arith.constant 0 : i32
    %dma_wait3A_66 = arith.constant 0 : i32
    %dma_wait3A_67 = arith.constant 0 : i32
    %dma_wait3A_68 = tpu.memref_slice %arg4[%dma_wait3A_64, %dma_wait3A_66, %dma_wait3A_65, %dma_wait3A_67] : memref<200x8x32x1024xf32, #tpu.memory_space<hbm>> -> memref<1x8x1x1024xf32, #tpu.memory_space<hbm>>
    %dma_wait3A_69 = tpu.memref_squeeze %dma_wait3A_68 : memref<1x8x1x1024xf32, #tpu.memory_space<hbm>> -> memref<8x1024xf32, #tpu.memory_space<hbm>>
    %dma_wait3A_70 = arith.constant 0 : i32
    %dma_wait3A_71 = arith.constant 0 : i32
    %dma_wait3A_72 = tpu.memref_slice %arg4[%dma_wait3A_64, %dma_wait3A_70, %dma_wait3A_65, %dma_wait3A_71] : memref<200x8x32x1024xf32, #tpu.memory_space<hbm>> -> memref<1x8x1x1024xf32, #tpu.memory_space<hbm>>
    %dma_wait3A_73 = tpu.memref_squeeze %dma_wait3A_72 : memref<1x8x1x1024xf32, #tpu.memory_space<hbm>> -> memref<8x1024xf32, #tpu.memory_space<hbm>>
    tpu.wait_dma2 semaphore(%arg20 : memref<!tpu.dma_semaphore, #tpu.memory_space<semaphore_mem>>) src(%arg12 : memref<8x1024xf32, #tpu.memory_space<vmem>>) dst(%dma_wait3A_73 : memref<8x1024xf32, #tpu.memory_space<hbm>>)
    %dma_wait3A_74 = arith.constant 0 : i32
    %dma_wait3A_75 = arith.constant 0 : i32
    %dma_wait3A_76 = arith.constant 0 : i32
    %dma_wait3A_77 = arith.constant 0 : i32
    %dma_wait3A_78 = tpu.memref_slice %arg4[%dma_wait3A_74, %dma_wait3A_76, %dma_wait3A_75, %dma_wait3A_77] : memref<200x8x32x1024xf32, #tpu.memory_space<hbm>> -> memref<1x8x1x1024xf32, #tpu.memory_space<hbm>>
    %dma_wait3A_79 = tpu.memref_squeeze %dma_wait3A_78 : memref<1x8x1x1024xf32, #tpu.memory_space<hbm>> -> memref<8x1024xf32, #tpu.memory_space<hbm>>
    %dma_wait3A_80 = arith.constant 0 : i32
    %dma_wait3A_81 = arith.constant 0 : i32
    %dma_wait3A_82 = tpu.memref_slice %arg4[%dma_wait3A_74, %dma_wait3A_80, %dma_wait3A_75, %dma_wait3A_81] : memref<200x8x32x1024xf32, #tpu.memory_space<hbm>> -> memref<1x8x1x1024xf32, #tpu.memory_space<hbm>>
    %dma_wait3A_83 = tpu.memref_squeeze %dma_wait3A_82 : memref<1x8x1x1024xf32, #tpu.memory_space<hbm>> -> memref<8x1024xf32, #tpu.memory_space<hbm>>
    tpu.wait_dma2 semaphore(%arg21 : memref<!tpu.dma_semaphore, #tpu.memory_space<semaphore_mem>>) src(%arg13 : memref<8x1024xf32, #tpu.memory_space<vmem>>) dst(%dma_wait3A_83 : memref<8x1024xf32, #tpu.memory_space<hbm>>)
    return
  }
}

</mosaic_0001>

<sc_bundles>
// kernel: kernel.3.cloned.1.call-start
scs
__scs_entry_jumppad:
0x0: {  	(pc) =	sbr.rel $0x88, $3  }
0x1: {  	(tag) =	ssettag $0x0;
	lr =	simm.s32 $0x1  }
0x2: {  	[smem:$0x3F9F] =	sst lr;
	_ =	strace $0xD0000000  }
0x3: {  	_ = 	snop  }
0x4: {  	_ = 	snop  }
0x5: {  	_ = 	snop  }
0x6: {  	_ = 	snop  }
0x7: {  	_ = 	snop  }
__scs_overlays_trampoline_lowered:
0x8: {  	[smem:$0x3FAE] =	sst s0  }
0x9: {  	[smem:$0x3FAF] =	sst s1  }
0xa: {  	[smem:$0x3FB0] =	sst s2  }
0xb: {  	[smem:$0x3FB1] =	sst s3  }
0xc: {  	[smem:$0x3FB2] =	sst s4  }
0xd: {  	[smem:$0x3FB3] =	sst s5  }
0xe: {  	[smem:$0x3FB4] =	sst s6  }
0xf: {  	[smem:$0x3FB5] =	sst s7  }
0x10: {  	[smem:$0x3FB6] =	sst s8  }
0x11: {  	[smem:$0x3FB7] =	sst s9;
	s0 =	simm.s32 @!p0 $0x0  }
0x12: {  	s1 =	sld [smem:$0x3F9D];
	s0 =	simm.s32 @p0 $0x1  }
0x13: {  	[smem:$0x3FB8] =	sst s0;
	s0 =	simm.s32 @!p1 $0x0  }
0x14: {  	s2 =	sld [smem:$0x3F9C];
	s0 =	simm.s32 @p1 $0x1  }
0x15: {  	[smem:$0x3FB9] =	sst s0;
	s0 =	simm.s32 @!p2 $0x0  }
0x16: {  	s3 =	sld [smem:$0x3FDB];
	s0 =	simm.s32 @p2 $0x1  }
0x17: {  	s4 =	simm.s32 $0x1BF5;
	[smem:$0x3FBB] =	sst s0  }
0x18: {  	s0 =	sld [smem:$0x3F9E];
	_ =	swait.ge [sflag:s4], $0x0  }
0x19: {  	s7 =	sld [smem:$0x3F9F]  }
0x1a: {  	s8 =	sadd.s32 $0xFFFFE003, lr  }
0x1b: {  	s9 =	sadd.s32 $0xFFFFFEF7, lr;
	s5 =	simm.s32 $0xFFFFFFFF;
	p2 =	slt.u32 s8, $0xFFFFF086  }
0x1c: {  	p1 =	slt.u32 s9, $0xF7A;
	s5 =	simm.s32 @!p2 $0x0  }
0x1d: {  	s5 =	simm.s32 @p1 $0x1;
	p0 =	seq.s32 s7, s2  }
0x1e: {  	s7 =	smul.u32 @!p0 $0xF7A, s2;
	p2 =	seq.s32 @!p0 s5, $0x0  }
0x1f: {  	s9 =	smul.u32 $0xF7A, s1;
	s8 =	simm.s32 @!p0 $0x1BF5;
	p2 =	por !p2, p0  }
0x20: {  	[sflag:s8] =	ssyncset.s32 @!p0 $0xFFFFF086;
	s6 =	sadd.s32 @!p0 s3, s7;
	s7 =	simm.s32 @!p0 $0x108  }
0x21: {  	s3 =	sadd.s32 s3, s9;
	s6 =	sadd.s32 @!p0 $0x88, s6;
	s7 =	simm.s32 @p2 $0x1082  }
0x22: {  	[simem:s7], [sflag:s8] =	dma.local @!p0 [hbm:s6], $0xF7A  }
0x23: {  	s9 =	sor.u32 $0xD0000000, s2;
	s6 =	simm.s32 $0x108;
	_ =	swait.ge @!p0 [sflag:s8], $0x0  }
0x24: {  	s3 =	sadd.s32 $0x88, s3;
	s6 =	simm.s32 @!p1 $0x1082;
	[sflag:s4] =	ssyncset.s32 $0xFFFFF086  }
0x25: {  	[simem:s6], [sflag:s4] =	dma.local [hbm:s3], $0xF7A  }
0x26: {  	[smem:$0x3F9F] =	sst s1;
	(tag) =	ssettag s2;
	_ =	strace s9  }
0x27: {  	s1 =	sld [smem:$0x3FAF]  }
0x28: {  	s2 =	sld [smem:$0x3FB0]  }
0x29: {  	s4 =	sld [smem:$0x3FB2]  }
0x2a: {  	p0 =	seq.s32 s5, $0x0;
	s5 =	sld [smem:$0x3FB3]  }
0x2b: {  	s6 =	sld [smem:$0x3FB4]  }
0x2c: {  	s7 =	sld [smem:$0x3FB5]  }
0x2d: {  	s3 =	simm.s32 $0x108;
	s8 =	sld [smem:$0x3FB6]  }
0x2e: {  	s3 =	simm.s32 @!p0 $0x1082;
	s9 =	sld [smem:$0x3FB7]  }
0x2f: {  	lr =	sadd.s32 s0, s3;
	s0 =	sld [smem:$0x3FAE]  }
0x30: {  	s3 =	sld [smem:$0x3FB1]  }
0x31: {  	[smem:$0x3FBA] =	sst s10  }
0x32: {  	s10 =	sld [smem:$0x3FB8];
	_ =	sdelay $0x3  }
0x33: {  	p0 =	seq.s32 s10, $0x1;
	s10 =	sld [smem:$0x3FBA];
	_ =	sdelay $0x3  }
0x34: {  	[smem:$0x3FBA] =	sst s10  }
0x35: {  	s10 =	sld [smem:$0x3FB9];
	_ =	sdelay $0x3  }
0x36: {  	p1 =	seq.s32 s10, $0x1;
	s10 =	sld [smem:$0x3FBA];
	_ =	sdelay $0x3  }
0x37: {  	[smem:$0x3FBA] =	sst s10  }
0x38: {  	s10 =	sld [smem:$0x3FBB]  }
0x39: {  	_ = 	snop;
	(pc) =	sbr.ind lr, $3  }
0x3a: {  	_ = 	snop  }
0x3b: {  	_ = 	snop  }
0x3c: {  	p2 =	seq.s32 s10, $0x1;
	s10 =	sld [smem:$0x3FBA]  }
0x3d: {  	_ =	shalt  }
0x3e: {  	_ =	shalt  }
0x3f: {  	_ =	shalt  }
0x40: {  	_ =	shalt  }
0x41: {  	_ =	shalt  }
0x42: {  	_ =	shalt  }
0x43: {  	_ =	shalt  }
0x44: {  	_ =	shalt  }
0x45: {  	_ =	shalt  }
0x46: {  	_ =	shalt  }
0x47: {  	_ =	shalt  }
0x48: {  	_ =	shalt  }
0x49: {  	_ =	shalt  }
0x4a: {  	_ =	shalt  }
0x4b: {  	_ =	shalt  }
0x4c: {  	_ =	shalt  }
0x4d: {  	_ =	shalt  }
0x4e: {  	_ =	shalt  }
0x4f: {  	_ =	shalt  }
0x50: {  	_ =	shalt  }
0x51: {  	_ =	shalt  }
0x52: {  	_ =	shalt  }
0x53: {  	_ =	shalt  }
0x54: {  	_ =	shalt  }
0x55: {  	_ =	shalt  }
0x56: {  	_ =	shalt  }
0x57: {  	_ =	shalt  }
0x58: {  	_ =	shalt  }
0x59: {  	_ =	shalt  }
0x5a: {  	_ =	shalt  }
0x5b: {  	_ =	shalt  }
0x5c: {  	_ =	shalt  }
0x5d: {  	_ =	shalt  }
0x5e: {  	_ =	shalt  }
0x5f: {  	_ =	shalt  }
0x60: {  	_ =	shalt  }
0x61: {  	_ =	shalt  }
0x62: {  	_ =	shalt  }
0x63: {  	_ =	shalt  }
0x64: {  	_ =	shalt  }
0x65: {  	_ =	shalt  }
0x66: {  	_ =	shalt  }
0x67: {  	_ =	shalt  }
0x68: {  	_ =	shalt  }
0x69: {  	_ =	shalt  }
0x6a: {  	_ =	shalt  }
0x6b: {  	_ =	shalt  }
0x6c: {  	_ =	shalt  }
0x6d: {  	_ =	shalt  }
0x6e: {  	_ =	shalt  }
0x6f: {  	_ =	shalt  }
0x70: {  	_ =	shalt  }
0x71: {  	_ =	shalt  }
0x72: {  	_ =	shalt  }
0x73: {  	_ =	shalt  }
0x74: {  	_ =	shalt  }
0x75: {  	_ =	shalt  }
0x76: {  	_ =	shalt  }
0x77: {  	_ =	shalt  }
0x78: {  	_ =	shalt  }
0x79: {  	_ =	shalt  }
0x7a: {  	_ =	shalt  }
0x7b: {  	_ =	shalt  }
0x7c: {  	_ =	shalt  }
0x7d: {  	_ =	shalt  }
0x7e: {  	_ =	shalt  }
0x7f: {  	_ =	shalt  }
0x80: {  	_ =	shalt  }
0x81: {  	_ =	shalt  }
0x82: {  	_ =	shalt  }
0x83: {  	_ =	shalt  }
0x84: {  	_ =	shalt  }
0x85: {  	_ =	shalt  }
0x86: {  	_ =	shalt  }
0x87: {  	_ =	shalt  }
.Lfunc_end0:
.L_simem_size_0:
called_computation_lowered:
.L_overlay_start_0:
0x88: {  	s2 =	sld [smem:$0x3FD9]  }
0x89: {  	s3 =	sld [smem:$0x3FFE];
	_ =	sdelay $0x1  }
0x8a: {  	s1 =	srdreg.scid  }
0x8b: {  	s0 =	sand.u32 $0x1, s1  }
0x8c: {  	s17 =	sshll.u32 s0, $0xA;
	s2 =	sadd.s32 s3, s2  }
0x8d: {  	s2 =	sadd.s32 s2, s17  }
0x8e: {  	[smem:$0x3FC6] =	sst s2  }
0x8f: {  	_ = 	snop  }
0x90: {  	s2 =	sld [smem:$0x3FD0];
	(tm) =	ssettm $0x1  }
0x91: {  	s18 =	sld [smem:$0x3FFB];
	_ =	sdelay $0x3  }
0x92: {  	_ =	strace s18  }
0x93: {  	s3 =	sld [smem:$0x3FFC];
	_ =	sdelay $0x3  }
0x94: {  	_ =	strace s3  }
0x95: {  	s3 =	sld [smem:$0x3FFD];
	_ =	sdelay $0x3  }
0x96: {  	_ =	strace s3  }
0x97: {  	_ =	strace $0x8FFFFFFF  }
0x98: {  	s19 =	sld [smem:$0x3FDB];
	_ =	sdelay $0x1  }
0x99: {  	s4 =	simm.s32 $_scs_section_size  }
0x9a: {  	s5 =	simm.s32 $_size__tile_overlayer_lowered;
	s6 =	simm.s32 $_tile_overlayer_lowered  }
0x9b: {  	s22 =	simm.s32 $0x1BFF;
	s21 =	sshll.u32 s6, $0x1;
	s3 =	sadd.s32 s4, s19  }
0x9c: {  	s7 =	simm.s32 $0x0;
	s20 =	sshll.u32 s5, $0x1;
	s5 =	sadd.s32 s21, s3  }
0x9d: {  	[timem:s7], [sflag:s22] =	dma.local [hbm:s5], s20  }
0x9e: {  	_ =	swait.ge [sflag:s22], s20  }
0x9f: {  	s4 =	ssub.s32 $0x0, s20;
	[sflag:s22] =	ssyncset.done $0x0  }
0xa0: {  	[sflag:s22] =	ssyncadd.s32 s4;
	_ =	sdelay $0x1  }
0xa1: {  	s23 =	simm.s32 $0x1B8B  }
0xa2: {  	_ =	swait.ge [sflag:s23], $0x1  }
0xa3: {  	[sflag:s23] =	ssyncset.done $0x0  }
0xa4: {  	s25 =	simm.s32 $0x1B8E;
	s24 =	sld [smem:$0x3FFE];
	[sflag:s23] =	ssyncadd.s32 $0xFFFFFFFF  }
0xa5: {  	s26 =	simm.s32 $execute0_lowered;
	[smem:$0x3FD2] =	sst s25  }
0xa6: {  	s5 =	sshll.u32 s26, $0x1;
	_ =	strace $0x80000046;
	[dreg:$0x1] =	wrdreg $0xFFFFFFFF  }
0xa7: {  	s28 =	simm.s32 $_size_execute0_lowered;
	s3 =	sadd.s32 s3, s5;
	[dreg:$0x0] =	wrdreg $0x0  }
0xa8: {  	s5 =	sshll.u32 s28, $0x1;
	[dreg:$0x2] =	wrdreg s3  }
0xa9: {  	[dreg:$0x3] =	wrdreg s5  }
0xaa: {  	[dreg:$0x4] =	wrdreg $0xC0  }
0xab: {  	_ =	task [dreg:s7], $0x5FFFF  }
0xac: {  	[dreg:$0x1] =	wrdreg $0xFFFFFFFF  }
0xad: {  	[dreg:$0x0] =	wrdreg $0x60  }
0xae: {  	[dreg:$0x2] =	wrdreg s24  }
0xaf: {  	[dreg:$0x3] =	wrdreg s2  }
0xb0: {  	[dreg:$0x4] =	wrdreg $0x9  }
0xb1: {  	_ =	task.clear_ibuf [dreg:s7], $0x5FFFF;
	_ =	strace $0x90000046  }
0xb2: {  	s29 =	simm.s32 $0x9;
	_ =	strace $0x80000048  }
0xb3: {  	_ =	swait.ge [sflag:s29], $0x1  }
0xb4: {  	[sflag:s29] =	ssyncadd.s32 $0xFFFFFFFF  }
0xb5: {  	_ =	strace $0x90000048  }
0xb6: {  	_ =	sfence  }
0xb7: {  	s30 =	sld [smem:$0x0];
	_ =	sdelay $0x2  }
0xb8: {  	s31 =	sshll.u32 s1, $0xD;
	s1 =	sshrl.u32 s1, $0x2  }
0xb9: {  	s3 =	sand.u32 $0x4000, s31;
	s1 =	sadd.s32 s1, s30  }
0xba: {  	s0 =	sor.u32 s3, s0;
	s1 =	sshll.u32 s1, $0x11  }
0xbb: {  	s0 =	sor.u32 s1, s0  }
0xbc: {  	s0 =	sadd.s32 $0x8F2B, s0  }
0xbd: {  	[sflag:s0] =	ssyncadd.remote.s32 $0x1  }
0xbe: {  	_ =	sfence.sel $0xFFFF  }
0xbf: {  	[dreg:$0x0] =	wrdreg $0xFFFFFFFF;
	(pc) =	sbr.abs _section_cstart, $3  }
0xc0: {  	[dreg:$0x1] =	wrdreg $0xFFFFFFFF  }
0xc1: {  	_ =	task.clear_ibuf [dreg:s7], $0x2FFFF;
	_ =	strace $0x9FFFFFFF  }
0xc2: {  	(tm) =	ssettm $0x7FFFFFFF  }
0xc3: {  	_ =	shalt  }
tec
execute0_lowered:
.L_overlay_start_1:
0x0: {  	(tag) =	ssettag $0x1  }
0x1: {  	s0 =	rddreg [dreg:$0x0]  }
0x2: {  	s2 =	rddreg [dreg:$0x1]  }
0x3: {  	s1 =	srdreg.scid;
	s3 =	stileid.u32;
	s4 =	simm.s32 $0x0  }
0x4: {  	s11 =	simm.s32 $0x80;
	s14 =	simm.s32 $0x6400;
	s15 =	simm.s32 $0x8400  }
0x5: {  	s17 =	simm.s32 $0xA400;
	s19 =	simm.s32 $0xC400;
	s20 =	simm.s32 $0x1  }
0x6: {  	s21 =	simm.s32 $0xE400;
	s22 =	simm.s32 $0x400;
	s23 =	simm.s32 $0x8000  }
0x7: {  	s28 =	simm.s32 $0x3;
	s29 =	simm.s32 $0x7;
	s30 =	simm.s32 $0x12400  }
0x8: {  	s31 =	simm.s32 $0x4;
	s16 =	simm.s32 $0x0;
	s1 =	sand.u32 $0x1, s1  }
0x9: {  	s3 =	sshll.u32 s3, $0x1;
	[smem:$0x7FF] =	sst s4;
	s4 =	sadd.s32 $0xF42A00, s0  }
0xa: {  	v0 =	vlaneseq.u32;
	s7 =	sadd.s32 $0x8000, s2;
	s8 =	sadd.s32 $0x10000, s2;
	s9 =	sadd.s32 $0x18000, s2  }
0xb: {  	v1 =	vmul.u32 $0x40, v0;
	s3 =	sor.u32 s1, s3;
	s1 =	ssub.s32 $0x2, s1;
	_ =	strace $0x80000047  }
.Ltmp0:
0xc: {  	v9 =	vor.u32 $0x10, v0;
	v10 =	vand.u32 $0x7, v0;
	v11 =	vor.u32 $0x20, v0;
	s24 =	sshll.u32 s3, $0x4;
	s5 =	sshrl.u32 s1, $0x1;
	(pc) =	sbr.rel .LBB2_1-.Ltmp0, $4  }
0xd: {  	v12 =	vor.u32 $0x30, v0;
	v13 =	vor.u32 $0x40, v0;
	v14 =	vor.u32 $0x50, v0;
	s6 =	sadd.s32 s24, s0;
	s25 =	ssub.s32 s1, s5;
	s24 =	simm.s32 $0x2  }
0xe: {  	v15 =	vor.u32 $0x60, v0;
	v16 =	vor.u32 $0x70, v0;
	v2 =	vor.u32 $0x400, v1;
	s1 =	simm.s32 $0x14400;
	s26 =	sadd.s32 $0x600, s6;
	s6 =	sshll.u32 s3, $0x7  }
0xf: {  	v3 =	vor.u32 $0x800, v1;
	v4 =	vor.u32 $0xC00, v1;
	v5 =	vor.u32 $0x1000, v1;
	s0 =	smax.u32 s25, $0x1;
	s25 =	simm.s32 $0x6;
	[dreg:$0x3] =	wrdreg s26  }
0x10: {  	v6 =	vor.u32 $0x1400, v1;
	v7 =	vor.u32 $0x1800, v1;
	v8 =	vor.u32 $0x1C00, v1;
	[dreg:$0x4] =	wrdreg s0;
	s26 =	simm.s32 $0x10400;
	s0 =	simm.s32 $0x8  }
.LBB2_24:
0x11: {  	s3 =	simm.s32 $0x5  }
0x12: {  	_ =	swait.ge [sflag:s3], $0x2000  }
0x13: {  	[sflag:s3] =	ssyncset.done $0x0  }
0x14: {  	[sflag:s3] =	ssyncadd.s32 $0xFFFFE000  }
0x15: {  	_ =	swait.ge [sflag:s25], $0x2000  }
0x16: {  	[sflag:s25] =	ssyncset.done $0x0  }
0x17: {  	[sflag:s25] =	ssyncadd.s32 $0xFFFFE000  }
0x18: {  	_ =	swait.ge [sflag:s29], $0x2000  }
0x19: {  	[sflag:s29] =	ssyncset.done $0x0  }
0x1a: {  	[sflag:s29] =	ssyncadd.s32 $0xFFFFE000  }
0x1b: {  	_ =	swait.ge [sflag:s0], $0x2000  }
0x1c: {  	s16 =	sadd.s32 $0x1, s16;
	s18 =	rddreg [dreg:$0x4]  }
0x1d: {  	p0 =	sne.s32 s16, s18  }
.Ltmp1:
0x1e: {  	_ = 	snop;
	(pc) =	sbr.rel @!p0 .LBB2_25-.Ltmp1, $3  }
0x1f: {  	_ =	sdelay $0x1  }
0x20: {  	[sflag:s0] =	ssyncset.done $0x0  }
0x21: {  	[sflag:s0] =	ssyncadd.s32 $0xFFFFE000  }
.LBB2_1:
0x22: {  	s3 =	simm.s32 $0x0  }
0x23: {  	s5 =	rddreg [dreg:$0x3];
	s10 =	simm.s32 $0x1000;
	s12 =	simm.s32 $0x9  }
0x24: {  	[tilespmem:s3], [sflag:$0x9] =	stream.strided.gather [hbm4b:s5+s11], $0x6400, s10, s11, $0x38;
	[tilespmem:$0x16400] =	vst v63  }
0x25: {  	_ =	swait.ge [sflag:s12], $0x6400  }
0x26: {  	[sflag:s12] =	ssyncset.done $0x0  }
0x27: {  	[sflag:s12] =	ssyncadd.s32 $0xFFFF9C00  }
0x28: {  	[tilespmem:s14], [sflag:$0x1] =	stream.indirect.gather [hbm4b:s4+s11], $0x40, s3, s11, $0xb8;
	[tilespmem:$0x16400] =	vst v63  }
0x29: {  	_ = 	snop  }
0x2a: {  	[tilespmem:s15], [sflag:$0x2] =	stream.indirect.gather [hbm4b:s4+s11], $0x40, s11, s11, $0xb8;
	[tilespmem:$0x16400] =	vst v63  }
0x2b: {  	s13 =	simm.s32 $0x100  }
0x2c: {  	[tilespmem:s17], [sflag:$0x3] =	stream.indirect.gather [hbm4b:s4+s11], $0x40, s13, s11, $0xb8;
	[tilespmem:$0x16400] =	vst v63  }
0x2d: {  	s18 =	simm.s32 $0x180  }
0x2e: {  	[tilespmem:s19], [sflag:$0x4] =	stream.indirect.gather [hbm4b:s4+s11], $0x40, s18, s11, $0xb8;
	[tilespmem:$0x16400] =	vst v63  }
0x2f: {  	s18 =	simm.s32 $0x0  }
.LBB2_2:
0x30: {  	s5 =	simm.s32 $0x0  }
0x31: {  	s3 =	sand.u32 $0xE, s5  }
0x32: {  	v18 =	vadd.s32 s3, v0;
	s3 =	sor.u32 $0x1, s3  }
0x33: {  	s10 =	sand.u32 $0x30, s5;
	v17 =	vand.u32 $0xF, v18;
	v20 =	vadd.s32 s3, v0  }
0x34: {  	v23 =	vand.u32 $0x7, v18;
	v17 =	vor.u32 s10, v17;
	v19 =	vand.u32 $0xF, v20  }
0x35: {  	v21 =	vand.u32 $0x7, v20;
	v20 =	vshll.u32 v20, $0x7;
	v22 =	vand.u32 $0x38, v17  }
0x36: {  	v24 =	vor.u32 s10, v19;
	v17 =	vshll.u32 v17, $0x7;
	v61 =	vand.u32 $0x380, v20  }
0x37: {  	v39 =	vor.u32 v15, v20;
	v44 =	vor.u32 v16, v20;
	v48 =	vor.u32 v11, v20  }
0x38: {  	v50 =	vor.u32 v9, v20;
	v19 =	vor.u32 v23, v22;
	v22 =	vand.u32 $0x38, v24  }
0x39: {  	v26 =	vand.u32 $0x1C00, v17;
	v45 =	vand.u32 $0x3E8, v39;
	v44 =	vand.u32 $0x3F8, v44  }
0x3a: {  	v63 =	vand.u32 $0x398, v50;
	v23 =	vor.u32 v1, v19;
	v25 =	vor.u32 v2, v19  }
0x3b: {  	v28 =	vor.u32 v4, v19;
	v32 =	vor.u32 v5, v19;
	v17 =	vor.u32 v21, v22  }
0x3c: {  	v21 =	vshll.u32 v18, $0x7;
	v33 =	vor.u32 v6, v19;
	v34 =	vor.u32 v7, v19  }
0x3d: {  	v35 =	vor.u32 v3, v19;
	v37 =	vor.u32 v8, v19;
	v27 =	vor.u32 v10, v26  }
0x3e: {  	v18 =	vor.u32 v16, v21;
	v22 =	vand.u32 $0x380, v21;
	v31 =	vor.u32 v14, v21  }
0x3f: {  	_ =	swait.ge [sflag:s20], $0x2000;
	v29 =	vor.u32 v9, v21;
	v30 =	vor.u32 v12, v21;
	v19 =	vor.u32 v15, v21  }
0x40: {  	p0 =	seq.s32 s18, $0x0;
	[sflag:s20] =	ssyncset.done $0x0;
	v36 =	vor.u32 v13, v21;
	v21 =	vor.u32 v11, v21;
	v19 =	vand.u32 $0x3E8, v19  }
0x41: {  	[sflag:s20] =	ssyncadd.s32 $0xFFFFE000;
	s3 =	simm.s32 @!p0 $0x5;
	v18 =	vand.u32 $0x3F8, v18;
	v29 =	vand.u32 $0x398, v29;
	v21 =	vand.u32 $0x3A8, v21  }
0x42: {  	_ =	swait.ge @!p0 [sflag:s3], $0x2000;
	v38 =	vand.u32 $0x3B8, v30;
	v59 =	vor.u32 v26, v22;
	v22 =	vand.u32 $0x3D8, v31  }
0x43: {  	[sflag:s3] =	ssyncset.done @!p0 $0x0;
	v26 =	vor.u32 v14, v20;
	v30 =	vor.u32 v21, v27;
	v21 =	vand.u32 $0x3C8, v36  }
0x44: {  	[sflag:s3] =	ssyncadd.s32 @!p0 $0xFFFFE000;
	v31 =	vor.u32 v21, v27;
	v21 =	vshll.u32 v24, $0x7;
	v24 =	vor.u32 v13, v20  }
0x45: {  	v19 =	vor.u32 v19, v27;
	v18 =	vor.u32 v18, v27;
	v43 =	vand.u32 $0x3C8, v24;
	v24 =	vld.idx.msk [tilespmem:v32+s14+$0x0], $0xffff  }
0x46: {  	v42 =	vor.u32 v29, v27;
	v29 =	vor.u32 v38, v27;
	v60 =	vand.u32 $0x3D8, v26;
	v41 =	vld.idx.msk [tilespmem:v23+s14+$0x0], $0xffff  }
0x47: {  	v26 =	vor.u32 v5, v17;
	v27 =	vor.u32 v22, v27;
	v22 =	vor.u32 v12, v20;
	v25 =	vld.idx.msk [tilespmem:v25+s14+$0x0], $0xffff  }
0x48: {  	v47 =	vor.u32 v0, v59;
	v40 =	vand.u32 $0x3B8, v22;
	v46 =	vld.idx.msk [tilespmem:v35+s14+$0x0], $0xffff;
	v21 =	vand.u32 $0x1C00, v21  }
0x49: {  	v23 =	vor.u32 v7, v17;
	v22 =	vor.u32 v8, v17;
	v49 =	vld.idx.msk [tilespmem:v28+s14+$0x0], $0xffff;
	v35 =	vor.u32 v10, v21  }
0x4a: {  	v38 =	vld.idx.msk [tilespmem:v34+s14+$0x0], $0xffff;
	v34 =	vor.u32 v6, v17;
	v28 =	vor.u32 v21, v61;
	v21 =	vor.u32 v60, v35  }
0x4b: {  	v39 =	vld.idx.msk [tilespmem:v33+s14+$0x0], $0xffff;
	v20 =	vor.u32 v44, v35;
	v32 =	vor.u32 v63, v35;
	v62 =	vmul.f32 $8.000000000e+00, v41  }
0x4c: {  	v33 =	vor.u32 v0, v28;
	v28 =	vor.u32 v43, v35;
	v25 =	vmul.f32 $8.000000000e+00, v25  }
0x4d: {  	v37 =	vld.idx.msk [tilespmem:v37+s14+$0x0], $0xffff;
	v36 =	vmul.f32 $8.000000000e+00, v24;
	v24 =	vor.u32 v40, v35;
	v41 =	vmul.f32 $8.000000000e+00, v46;
	[tilespmem:v47+s21+$0x0] =	vst.idx.msk $0xffff, v62  }
0x4e: {  	s3 =	sshll.u32 s18, $0xB;
	v40 =	vand.u32 $0x3A8, v48;
	[tilespmem:v42+s21+$0x0] =	vst.idx.msk $0xffff, v25;
	v42 =	vmul.f32 $8.000000000e+00, v49;
	v25 =	vor.u32 v45, v35  }
.LBB2_3:
0x4f: {  	s5 =	sadd.s32 $0x2, s5;
	[tilespmem:v30+s21+$0x0] =	vst.idx.msk $0xffff, v41;
	v30 =	vor.u32 v4, v17;
	v35 =	vor.u32 v40, v35  }
0x50: {  	v40 =	vor.u32 v3, v17;
	s10 =	sand.u32 $0xE, s5;
	p1 =	slt.u32 s5, $0x3E;
	[tilespmem:v29+s21+$0x0] =	vst.idx.msk $0xffff, v42;
	v29 =	vmul.f32 $8.000000000e+00, v39;
	v39 =	vor.u32 v1, v17  }
0x51: {  	v17 =	vor.u32 v2, v17;
	v41 =	vadd.s32 s10, v0;
	s10 =	sor.u32 $0x1, s10;
	[tilespmem:v31+s21+$0x0] =	vst.idx.msk $0xffff, v36;
	v31 =	vmul.f32 $8.000000000e+00, v38  }
0x52: {  	s13 =	sand.u32 $0x30, s5;
	v36 =	vand.u32 $0xF, v41;
	v38 =	vadd.s32 s10, v0;
	[tilespmem:v27+s21+$0x0] =	vst.idx.msk $0xffff, v29;
	v27 =	vmul.f32 $8.000000000e+00, v37  }
0x53: {  	v29 =	vor.u32 s13, v36;
	v36 =	vand.u32 $0xF, v38;
	v37 =	vand.u32 $0x7, v38;
	[tilespmem:v19+s21+$0x0] =	vst.idx.msk $0xffff, v31  }
0x54: {  	v31 =	vand.u32 $0x7, v41;
	v19 =	vand.u32 $0x38, v29;
	v36 =	vor.u32 s13, v36;
	[tilespmem:v18+s21+$0x0] =	vst.idx.msk $0xffff, v27  }
0x55: {  	v18 =	vor.u32 v31, v19;
	v19 =	vshll.u32 v29, $0x7;
	v27 =	vand.u32 $0x38, v36;
	v29 =	vld.idx.msk [tilespmem:v39+s14+$0x0], $0xffff  }
0x56: {  	v39 =	vor.u32 v1, v18;
	v42 =	vor.u32 v2, v18;
	v31 =	vand.u32 $0x1C00, v19;
	v19 =	vld.idx.msk [tilespmem:v17+s14+$0x0], $0xffff  }
0x57: {  	v43 =	vor.u32 v4, v18;
	v44 =	vor.u32 v5, v18;
	v17 =	vor.u32 v37, v27;
	v27 =	vld.idx.msk [tilespmem:v40+s14+$0x0], $0xffff  }
0x58: {  	v37 =	vshll.u32 v41, $0x7;
	v41 =	vor.u32 v7, v18;
	v40 =	vor.u32 v6, v18;
	v30 =	vld.idx.msk [tilespmem:v30+s14+$0x0], $0xffff  }
0x59: {  	v45 =	vor.u32 v3, v18;
	v46 =	vor.u32 v8, v18;
	v18 =	vor.u32 v16, v37;
	v26 =	vld.idx.msk [tilespmem:v26+s14+$0x0], $0xffff  }
0x5a: {  	v47 =	vand.u32 $0x380, v37;
	v48 =	vor.u32 v10, v31;
	v49 =	vor.u32 v14, v37;
	v34 =	vld.idx.msk [tilespmem:v34+s14+$0x0], $0xffff  }
0x5b: {  	v50 =	vor.u32 v9, v37;
	v51 =	vor.u32 v12, v37;
	v29 =	vmul.f32 $8.000000000e+00, v29;
	v23 =	vld.idx.msk [tilespmem:v23+s14+$0x0], $0xffff  }
0x5c: {  	v52 =	vor.u32 v13, v37;
	v53 =	vor.u32 v15, v37;
	v54 =	vmul.f32 $8.000000000e+00, v19;
	v22 =	vld.idx.msk [tilespmem:v22+s14+$0x0], $0xffff  }
0x5d: {  	v18 =	vand.u32 $0x3F8, v18;
	v19 =	vand.u32 $0x3E8, v53;
	v27 =	vmul.f32 $8.000000000e+00, v27;
	[tilespmem:v33+s21+$0x0] =	vst.idx.msk $0xffff, v29  }
0x5e: {  	v18 =	vor.u32 v18, v48;
	v19 =	vor.u32 v19, v48;
	v29 =	vmul.f32 $8.000000000e+00, v30;
	[tilespmem:v32+s21+$0x0] =	vst.idx.msk $0xffff, v54  }
0x5f: {  	v30 =	vand.u32 $0x398, v50;
	v32 =	vor.u32 v11, v37;
	v26 =	vmul.f32 $8.000000000e+00, v26;
	[tilespmem:v35+s21+$0x0] =	vst.idx.msk $0xffff, v27  }
0x60: {  	v50 =	vor.u32 v30, v48;
	v27 =	vand.u32 $0x3A8, v32;
	[tilespmem:v24+s21+$0x0] =	vst.idx.msk $0xffff, v29;
	v24 =	vmul.f32 $8.000000000e+00, v34  }
0x61: {  	v30 =	vor.u32 v27, v48;
	v27 =	vand.u32 $0x3B8, v51;
	v23 =	vmul.f32 $8.000000000e+00, v23;
	[tilespmem:v28+s21+$0x0] =	vst.idx.msk $0xffff, v26  }
0x62: {  	v29 =	vor.u32 v27, v48;
	v26 =	vand.u32 $0x3C8, v52;
	[tilespmem:v21+s21+$0x0] =	vst.idx.msk $0xffff, v24;
	v21 =	vmul.f32 $8.000000000e+00, v22  }
0x63: {  	v24 =	vor.u32 v31, v47;
	v31 =	vor.u32 v26, v48;
	v22 =	vand.u32 $0x3D8, v49;
	[tilespmem:v25+s21+$0x0] =	vst.idx.msk $0xffff, v23  }
0x64: {  	v28 =	vshll.u32 v36, $0x7;
	v27 =	vor.u32 v22, v48;
	v25 =	vshll.u32 v38, $0x7;
	[tilespmem:v20+s21+$0x0] =	vst.idx.msk $0xffff, v21  }
0x65: {  	v20 =	vor.u32 v12, v25;
	v21 =	vor.u32 v13, v25;
	v22 =	vor.u32 v14, v25;
	v34 =	vld.idx.msk [tilespmem:v43+s14+$0x0], $0xffff  }
0x66: {  	v33 =	vand.u32 $0x3B8, v20;
	v43 =	vand.u32 $0x3C8, v21;
	v20 =	vand.u32 $0x3D8, v22;
	v32 =	vld.idx.msk [tilespmem:v44+s14+$0x0], $0xffff  }
0x67: {  	v35 =	vor.u32 v15, v25;
	v36 =	vor.u32 v16, v25;
	v21 =	vand.u32 $0x380, v25;
	v37 =	vld.idx.msk [tilespmem:v39+s14+$0x0], $0xffff  }
0x68: {  	v23 =	vor.u32 v7, v17;
	v22 =	vor.u32 v8, v17;
	v42 =	vld.idx.msk [tilespmem:v42+s14+$0x0], $0xffff  }
0x69: {  	v26 =	vor.u32 v5, v17;
	v38 =	vand.u32 $0x3F8, v36;
	v44 =	vld.idx.msk [tilespmem:v45+s14+$0x0], $0xffff;
	v45 =	vand.u32 $0x3E8, v35  }
0x6a: {  	v47 =	vor.u32 v0, v24;
	v24 =	vand.u32 $0x1C00, v28;
	v28 =	vor.u32 v11, v25  }
0x6b: {  	v25 =	vor.u32 v9, v25;
	v48 =	vor.u32 v24, v21;
	v35 =	vor.u32 v10, v24  }
.Ltmp2:
0x6c: {  	v21 =	vor.u32 v20, v35;
	v20 =	vor.u32 v38, v35;
	v36 =	vmul.f32 $8.000000000e+00, v32;
	v39 =	vld.idx.msk [tilespmem:v40+s14+$0x0], $0xffff;
	(pc) =	sbr.rel @p1 .LBB2_3-.Ltmp2, $4  }
0x6d: {  	v25 =	vand.u32 $0x398, v25;
	v24 =	vor.u32 v33, v35;
	v38 =	vld.idx.msk [tilespmem:v41+s14+$0x0], $0xffff;
	v41 =	vmul.f32 $8.000000000e+00, v37  }
0x6e: {  	v32 =	vor.u32 v25, v35;
	v40 =	vand.u32 $0x3A8, v28;
	v42 =	vmul.f32 $8.000000000e+00, v42;
	v37 =	vld.idx.msk [tilespmem:v46+s14+$0x0], $0xffff  }
0x6f: {  	v33 =	vor.u32 v0, v48;
	v28 =	vor.u32 v43, v35;
	[tilespmem:v47+s21+$0x0] =	vst.idx.msk $0xffff, v41;
	v41 =	vmul.f32 $8.000000000e+00, v44  }
0x70: {  	v25 =	vor.u32 v45, v35;
	[tilespmem:v50+s21+$0x0] =	vst.idx.msk $0xffff, v42;
	v42 =	vmul.f32 $8.000000000e+00, v34;
	v34 =	vor.u32 v6, v17  }
0x71: {  	_ =	sdelay $0x3  }
0x72: {  	[tilespmem:v30+s21+$0x0] =	vst.idx.msk $0xffff, v41  }
0x73: {  	v56 =	vmul.f32 $8.000000000e+00, v39;
	v57 =	vor.u32 v1, v17;
	[tilespmem:v29+s21+$0x0] =	vst.idx.msk $0xffff, v42  }
0x74: {  	v59 =	vor.u32 v2, v17;
	v58 =	vmul.f32 $8.000000000e+00, v38;
	[tilespmem:v31+s21+$0x0] =	vst.idx.msk $0xffff, v36  }
0x75: {  	v60 =	vor.u32 v3, v17;
	v61 =	vmul.f32 $8.000000000e+00, v37;
	[tilespmem:v27+s21+$0x0] =	vst.idx.msk $0xffff, v56  }
0x76: {  	v17 =	vor.u32 v4, v17;
	[tilespmem:v19+s21+$0x0] =	vst.idx.msk $0xffff, v58  }
0x77: {  	[tilespmem:v18+s21+$0x0] =	vst.idx.msk $0xffff, v61  }
0x78: {  	v18 =	vld.idx.msk [tilespmem:v57+s14+$0x0], $0xffff  }
0x79: {  	v19 =	vld.idx.msk [tilespmem:v59+s14+$0x0], $0xffff  }
0x7a: {  	v27 =	vld.idx.msk [tilespmem:v60+s14+$0x0], $0xffff  }
0x7b: {  	v17 =	vld.idx.msk [tilespmem:v17+s14+$0x0], $0xffff  }
0x7c: {  	v62 =	vor.u32 v40, v35;
	v26 =	vld.idx.msk [tilespmem:v26+s14+$0x0], $0xffff  }
0x7d: {  	v63 =	vld.idx.msk [tilespmem:v34+s14+$0x0], $0xffff;
	v18 =	vmul.f32 $8.000000000e+00, v18  }
0x7e: {  	v23 =	vld.idx.msk [tilespmem:v23+s14+$0x0], $0xffff;
	v19 =	vmul.f32 $8.000000000e+00, v19  }
0x7f: {  	v22 =	vld.idx.msk [tilespmem:v22+s14+$0x0], $0xffff;
	[tilespmem:v33+s21+$0x0] =	vst.idx.msk $0xffff, v18;
	v18 =	vmul.f32 $8.000000000e+00, v27  }
0x80: {  	v17 =	vmul.f32 $8.000000000e+00, v17;
	[tilespmem:v32+s21+$0x0] =	vst.idx.msk $0xffff, v19  }
0x81: {  	[tilespmem:v62+s21+$0x0] =	vst.idx.msk $0xffff, v18;
	v18 =	vmul.f32 $8.000000000e+00, v26  }
0x82: {  	p1 =	sne.s32 s18, $0x31;
	[tilespmem:v24+s21+$0x0] =	vst.idx.msk $0xffff, v17;
	v17 =	vmul.f32 $8.000000000e+00, v63  }
.Ltmp3:
0x83: {  	[tilespmem:v28+s21+$0x0] =	vst.idx.msk $0xffff, v18;
	v18 =	vmul.f32 $8.000000000e+00, v23;
	(pc) =	sbr.rel @p1 .LBB2_6-.Ltmp3, $4  }
0x84: {  	s5 =	sshll.u32 s18, $0x11;
	[tilespmem:v21+s21+$0x0] =	vst.idx.msk $0xffff, v17;
	v17 =	vmul.f32 $8.000000000e+00, v22  }
0x85: {  	s5 =	sor.u32 s6, s5;
	[tilespmem:v25+s21+$0x0] =	vst.idx.msk $0xffff, v18  }
0x86: {  	s10 =	sadd.s32 s2, s5;
	[tilespmem:v20+s21+$0x0] =	vst.idx.msk $0xffff, v17  }
0x87: {  	[hbm4b:s10+s22] =	stream.strided.scatter [tilespmem:s21], [sflag:$0x5], $0x2000, s23, s22, $0x38;
	[tilespmem:$0x16400] =	vst v63  }
.Ltmp4:
0x88: {  	(pc) =	sbr.rel .LBB2_7-.Ltmp4, $4  }
0x89: {  	_ = 	snop  }
0x8a: {  	_ =	swait.ge [sflag:s24], $0x2000  }
0x8b: {  	[sflag:s24] =	ssyncset.done $0x0  }
0x8c: {  	[sflag:s24] =	ssyncadd.s32 $0xFFFFE000  }
.LBB2_6:
0x8d: {  	s10 =	sshrl.u32 s3, $0x2  }
.Ltmp5:
0x8e: {  	s10 =	sadd.s32 $0x200, s10;
	(pc) =	sbr.rel @p0 .LBB2_8-.Ltmp5, $4  }
0x8f: {  	[tilespmem:s14], [sflag:$0x1] =	stream.indirect.gather [hbm4b:s4+s11], $0x40, s10, s11, $0xb8;
	[tilespmem:$0x16400] =	vst v63  }
0x90: {  	_ =	swait.ge [sflag:s24], $0x2000  }
0x91: {  	[sflag:s24] =	ssyncset.done $0x0  }
0x92: {  	[sflag:s24] =	ssyncadd.s32 $0xFFFFE000  }
.LBB2_7:
0x93: {  	_ =	swait.ge [sflag:s25], $0x2000  }
0x94: {  	[sflag:s25] =	ssyncset.done $0x0  }
0x95: {  	[sflag:s25] =	ssyncadd.s32 $0xFFFFE000  }
.LBB2_8:
0x96: {  	s10 =	simm.s32 $0x0  }
0x97: {  	s13 =	sand.u32 $0xE, s10  }
0x98: {  	v18 =	vadd.s32 s13, v0;
	s13 =	sor.u32 $0x1, s13  }
0x99: {  	s12 =	sand.u32 $0x30, s10;
	v17 =	vand.u32 $0xF, v18;
	v20 =	vadd.s32 s13, v0  }
0x9a: {  	v23 =	vand.u32 $0x7, v18;
	v17 =	vor.u32 s12, v17;
	v19 =	vand.u32 $0xF, v20  }
0x9b: {  	v21 =	vand.u32 $0x7, v20;
	v20 =	vshll.u32 v20, $0x7;
	v22 =	vand.u32 $0x38, v17  }
0x9c: {  	v24 =	vor.u32 s12, v19;
	v17 =	vshll.u32 v17, $0x7;
	v61 =	vand.u32 $0x380, v20  }
0x9d: {  	v39 =	vor.u32 v15, v20;
	v44 =	vor.u32 v16, v20;
	v48 =	vor.u32 v11, v20  }
0x9e: {  	v50 =	vor.u32 v9, v20;
	v19 =	vor.u32 v23, v22;
	v22 =	vand.u32 $0x38, v24  }
0x9f: {  	v26 =	vand.u32 $0x1C00, v17;
	v45 =	vand.u32 $0x3E8, v39;
	v44 =	vand.u32 $0x3F8, v44  }
0xa0: {  	v63 =	vand.u32 $0x398, v50;
	v23 =	vor.u32 v1, v19;
	v25 =	vor.u32 v2, v19  }
0xa1: {  	v27 =	vor.u32 v4, v19;
	v32 =	vor.u32 v5, v19;
	v17 =	vor.u32 v21, v22  }
0xa2: {  	v21 =	vshll.u32 v18, $0x7;
	v33 =	vor.u32 v6, v19;
	v34 =	vor.u32 v7, v19  }
0xa3: {  	v35 =	vor.u32 v3, v19;
	v37 =	vor.u32 v8, v19;
	v28 =	vor.u32 v10, v26  }
0xa4: {  	v18 =	vor.u32 v16, v21;
	v22 =	vand.u32 $0x380, v21;
	v30 =	vor.u32 v14, v21  }
0xa5: {  	v29 =	vor.u32 v9, v21;
	v31 =	vor.u32 v12, v21;
	v19 =	vor.u32 v15, v21  }
0xa6: {  	v36 =	vor.u32 v13, v21;
	v21 =	vor.u32 v11, v21;
	v19 =	vand.u32 $0x3E8, v19  }
0xa7: {  	v18 =	vand.u32 $0x3F8, v18;
	v29 =	vand.u32 $0x398, v29;
	v21 =	vand.u32 $0x3A8, v21  }
0xa8: {  	v38 =	vand.u32 $0x3B8, v31;
	v59 =	vor.u32 v26, v22;
	v22 =	vand.u32 $0x3D8, v30  }
0xa9: {  	v26 =	vor.u32 v14, v20;
	v31 =	vor.u32 v21, v28;
	v21 =	vand.u32 $0x3C8, v36  }
0xaa: {  	v30 =	vor.u32 v21, v28;
	v21 =	vshll.u32 v24, $0x7;
	v24 =	vor.u32 v13, v20  }
0xab: {  	v19 =	vor.u32 v19, v28;
	v18 =	vor.u32 v18, v28;
	v43 =	vand.u32 $0x3C8, v24;
	v24 =	vld.idx.msk [tilespmem:v32+s15+$0x0], $0xffff  }
0xac: {  	v42 =	vor.u32 v29, v28;
	v29 =	vor.u32 v38, v28;
	v60 =	vand.u32 $0x3D8, v26;
	v41 =	vld.idx.msk [tilespmem:v23+s15+$0x0], $0xffff  }
0xad: {  	v26 =	vor.u32 v5, v17;
	v28 =	vor.u32 v22, v28;
	v22 =	vor.u32 v12, v20;
	v25 =	vld.idx.msk [tilespmem:v25+s15+$0x0], $0xffff  }
0xae: {  	v47 =	vor.u32 v0, v59;
	v40 =	vand.u32 $0x3B8, v22;
	v46 =	vld.idx.msk [tilespmem:v35+s15+$0x0], $0xffff;
	v21 =	vand.u32 $0x1C00, v21  }
0xaf: {  	v23 =	vor.u32 v7, v17;
	v22 =	vor.u32 v8, v17;
	v49 =	vld.idx.msk [tilespmem:v27+s15+$0x0], $0xffff;
	v35 =	vor.u32 v10, v21  }
0xb0: {  	v38 =	vld.idx.msk [tilespmem:v34+s15+$0x0], $0xffff;
	v34 =	vor.u32 v6, v17;
	v27 =	vor.u32 v21, v61;
	v21 =	vor.u32 v60, v35  }
0xb1: {  	v39 =	vld.idx.msk [tilespmem:v33+s15+$0x0], $0xffff;
	v20 =	vor.u32 v44, v35;
	v32 =	vor.u32 v63, v35;
	v62 =	vmul.f32 $8.000000000e+00, v41  }
0xb2: {  	v33 =	vor.u32 v0, v27;
	v27 =	vor.u32 v43, v35;
	v25 =	vmul.f32 $8.000000000e+00, v25  }
0xb3: {  	v37 =	vld.idx.msk [tilespmem:v37+s15+$0x0], $0xffff;
	v36 =	vmul.f32 $8.000000000e+00, v24;
	v24 =	vor.u32 v40, v35;
	v41 =	vmul.f32 $8.000000000e+00, v46;
	[tilespmem:v47+s26+$0x0] =	vst.idx.msk $0xffff, v62  }
0xb4: {  	v40 =	vand.u32 $0x3A8, v48;
	[tilespmem:v42+s26+$0x0] =	vst.idx.msk $0xffff, v25;
	v42 =	vmul.f32 $8.000000000e+00, v49;
	v25 =	vor.u32 v45, v35  }
.LBB2_9:
0xb5: {  	s10 =	sadd.s32 $0x2, s10;
	[tilespmem:v31+s26+$0x0] =	vst.idx.msk $0xffff, v41;
	v31 =	vor.u32 v4, v17;
	v35 =	vor.u32 v40, v35  }
0xb6: {  	v40 =	vor.u32 v3, v17;
	s12 =	sand.u32 $0xE, s10;
	p2 =	slt.u32 s10, $0x3E;
	[tilespmem:v29+s26+$0x0] =	vst.idx.msk $0xffff, v42;
	v29 =	vmul.f32 $8.000000000e+00, v39;
	v39 =	vor.u32 v1, v17  }
0xb7: {  	v17 =	vor.u32 v2, v17;
	v41 =	vadd.s32 s12, v0;
	s12 =	sor.u32 $0x1, s12;
	[tilespmem:v30+s26+$0x0] =	vst.idx.msk $0xffff, v36;
	v30 =	vmul.f32 $8.000000000e+00, v38  }
0xb8: {  	s13 =	sand.u32 $0x30, s10;
	v36 =	vand.u32 $0xF, v41;
	v38 =	vadd.s32 s12, v0;
	[tilespmem:v28+s26+$0x0] =	vst.idx.msk $0xffff, v29;
	v28 =	vmul.f32 $8.000000000e+00, v37  }
0xb9: {  	v29 =	vor.u32 s13, v36;
	v36 =	vand.u32 $0xF, v38;
	v37 =	vand.u32 $0x7, v38;
	[tilespmem:v19+s26+$0x0] =	vst.idx.msk $0xffff, v30  }
0xba: {  	v30 =	vand.u32 $0x7, v41;
	v19 =	vand.u32 $0x38, v29;
	v36 =	vor.u32 s13, v36;
	[tilespmem:v18+s26+$0x0] =	vst.idx.msk $0xffff, v28  }
0xbb: {  	v18 =	vor.u32 v30, v19;
	v19 =	vshll.u32 v29, $0x7;
	v28 =	vand.u32 $0x38, v36;
	v29 =	vld.idx.msk [tilespmem:v39+s15+$0x0], $0xffff  }
0xbc: {  	v39 =	vor.u32 v1, v18;
	v42 =	vor.u32 v2, v18;
	v30 =	vand.u32 $0x1C00, v19;
	v19 =	vld.idx.msk [tilespmem:v17+s15+$0x0], $0xffff  }
0xbd: {  	v43 =	vor.u32 v4, v18;
	v44 =	vor.u32 v5, v18;
	v17 =	vor.u32 v37, v28;
	v28 =	vld.idx.msk [tilespmem:v40+s15+$0x0], $0xffff  }
0xbe: {  	v37 =	vshll.u32 v41, $0x7;
	v41 =	vor.u32 v7, v18;
	v40 =	vor.u32 v6, v18;
	v31 =	vld.idx.msk [tilespmem:v31+s15+$0x0], $0xffff  }
0xbf: {  	v45 =	vor.u32 v3, v18;
	v46 =	vor.u32 v8, v18;
	v18 =	vor.u32 v16, v37;
	v26 =	vld.idx.msk [tilespmem:v26+s15+$0x0], $0xffff  }
0xc0: {  	v47 =	vand.u32 $0x380, v37;
	v48 =	vor.u32 v10, v30;
	v49 =	vor.u32 v14, v37;
	v34 =	vld.idx.msk [tilespmem:v34+s15+$0x0], $0xffff  }
0xc1: {  	v50 =	vor.u32 v9, v37;
	v51 =	vor.u32 v12, v37;
	v29 =	vmul.f32 $8.000000000e+00, v29;
	v23 =	vld.idx.msk [tilespmem:v23+s15+$0x0], $0xffff  }
0xc2: {  	v52 =	vor.u32 v13, v37;
	v53 =	vor.u32 v15, v37;
	v54 =	vmul.f32 $8.000000000e+00, v19;
	v22 =	vld.idx.msk [tilespmem:v22+s15+$0x0], $0xffff  }
0xc3: {  	v18 =	vand.u32 $0x3F8, v18;
	v19 =	vand.u32 $0x3E8, v53;
	v28 =	vmul.f32 $8.000000000e+00, v28;
	[tilespmem:v33+s26+$0x0] =	vst.idx.msk $0xffff, v29  }
0xc4: {  	v18 =	vor.u32 v18, v48;
	v19 =	vor.u32 v19, v48;
	v29 =	vmul.f32 $8.000000000e+00, v31;
	[tilespmem:v32+s26+$0x0] =	vst.idx.msk $0xffff, v54  }
0xc5: {  	v31 =	vand.u32 $0x398, v50;
	v32 =	vor.u32 v11, v37;
	v26 =	vmul.f32 $8.000000000e+00, v26;
	[tilespmem:v35+s26+$0x0] =	vst.idx.msk $0xffff, v28  }
0xc6: {  	v50 =	vor.u32 v31, v48;
	v28 =	vand.u32 $0x3A8, v32;
	[tilespmem:v24+s26+$0x0] =	vst.idx.msk $0xffff, v29;
	v24 =	vmul.f32 $8.000000000e+00, v34  }
0xc7: {  	v31 =	vor.u32 v28, v48;
	v28 =	vand.u32 $0x3B8, v51;
	v23 =	vmul.f32 $8.000000000e+00, v23;
	[tilespmem:v27+s26+$0x0] =	vst.idx.msk $0xffff, v26  }
0xc8: {  	v29 =	vor.u32 v28, v48;
	v26 =	vand.u32 $0x3C8, v52;
	[tilespmem:v21+s26+$0x0] =	vst.idx.msk $0xffff, v24;
	v21 =	vmul.f32 $8.000000000e+00, v22  }
0xc9: {  	v24 =	vor.u32 v30, v47;
	v30 =	vor.u32 v26, v48;
	v22 =	vand.u32 $0x3D8, v49;
	[tilespmem:v25+s26+$0x0] =	vst.idx.msk $0xffff, v23  }
0xca: {  	v27 =	vshll.u32 v36, $0x7;
	v28 =	vor.u32 v22, v48;
	v25 =	vshll.u32 v38, $0x7;
	[tilespmem:v20+s26+$0x0] =	vst.idx.msk $0xffff, v21  }
0xcb: {  	v20 =	vor.u32 v12, v25;
	v21 =	vor.u32 v13, v25;
	v22 =	vor.u32 v14, v25;
	v34 =	vld.idx.msk [tilespmem:v43+s15+$0x0], $0xffff  }
0xcc: {  	v33 =	vand.u32 $0x3B8, v20;
	v43 =	vand.u32 $0x3C8, v21;
	v20 =	vand.u32 $0x3D8, v22;
	v32 =	vld.idx.msk [tilespmem:v44+s15+$0x0], $0xffff  }
0xcd: {  	v35 =	vor.u32 v15, v25;
	v36 =	vor.u32 v16, v25;
	v21 =	vand.u32 $0x380, v25;
	v37 =	vld.idx.msk [tilespmem:v39+s15+$0x0], $0xffff  }
0xce: {  	v23 =	vor.u32 v7, v17;
	v22 =	vor.u32 v8, v17;
	v42 =	vld.idx.msk [tilespmem:v42+s15+$0x0], $0xffff  }
0xcf: {  	v26 =	vor.u32 v5, v17;
	v38 =	vand.u32 $0x3F8, v36;
	v44 =	vld.idx.msk [tilespmem:v45+s15+$0x0], $0xffff;
	v45 =	vand.u32 $0x3E8, v35  }
0xd0: {  	v47 =	vor.u32 v0, v24;
	v24 =	vand.u32 $0x1C00, v27;
	v27 =	vor.u32 v11, v25  }
0xd1: {  	v25 =	vor.u32 v9, v25;
	v48 =	vor.u32 v24, v21;
	v35 =	vor.u32 v10, v24  }
.Ltmp6:
0xd2: {  	v21 =	vor.u32 v20, v35;
	v20 =	vor.u32 v38, v35;
	v36 =	vmul.f32 $8.000000000e+00, v32;
	v39 =	vld.idx.msk [tilespmem:v40+s15+$0x0], $0xffff;
	(pc) =	sbr.rel @p2 .LBB2_9-.Ltmp6, $4  }
0xd3: {  	v25 =	vand.u32 $0x398, v25;
	v24 =	vor.u32 v33, v35;
	v38 =	vld.idx.msk [tilespmem:v41+s15+$0x0], $0xffff;
	v41 =	vmul.f32 $8.000000000e+00, v37  }
0xd4: {  	v32 =	vor.u32 v25, v35;
	v40 =	vand.u32 $0x3A8, v27;
	v42 =	vmul.f32 $8.000000000e+00, v42;
	v37 =	vld.idx.msk [tilespmem:v46+s15+$0x0], $0xffff  }
0xd5: {  	v33 =	vor.u32 v0, v48;
	v27 =	vor.u32 v43, v35;
	[tilespmem:v47+s26+$0x0] =	vst.idx.msk $0xffff, v41;
	v41 =	vmul.f32 $8.000000000e+00, v44  }
0xd6: {  	v25 =	vor.u32 v45, v35;
	[tilespmem:v50+s26+$0x0] =	vst.idx.msk $0xffff, v42;
	v42 =	vmul.f32 $8.000000000e+00, v34;
	v34 =	vor.u32 v6, v17  }
0xd7: {  	_ =	sdelay $0x3  }
0xd8: {  	[tilespmem:v31+s26+$0x0] =	vst.idx.msk $0xffff, v41  }
0xd9: {  	v57 =	vmul.f32 $8.000000000e+00, v39;
	v58 =	vor.u32 v1, v17;
	[tilespmem:v29+s26+$0x0] =	vst.idx.msk $0xffff, v42  }
0xda: {  	v60 =	vor.u32 v2, v17;
	v59 =	vmul.f32 $8.000000000e+00, v38;
	[tilespmem:v30+s26+$0x0] =	vst.idx.msk $0xffff, v36  }
0xdb: {  	v61 =	vor.u32 v3, v17;
	v62 =	vmul.f32 $8.000000000e+00, v37;
	[tilespmem:v28+s26+$0x0] =	vst.idx.msk $0xffff, v57  }
0xdc: {  	v17 =	vor.u32 v4, v17;
	[tilespmem:v19+s26+$0x0] =	vst.idx.msk $0xffff, v59  }
0xdd: {  	[tilespmem:v18+s26+$0x0] =	vst.idx.msk $0xffff, v62  }
0xde: {  	v18 =	vld.idx.msk [tilespmem:v58+s15+$0x0], $0xffff  }
0xdf: {  	v19 =	vld.idx.msk [tilespmem:v60+s15+$0x0], $0xffff  }
0xe0: {  	v28 =	vld.idx.msk [tilespmem:v61+s15+$0x0], $0xffff  }
0xe1: {  	v17 =	vld.idx.msk [tilespmem:v17+s15+$0x0], $0xffff  }
0xe2: {  	v63 =	vor.u32 v40, v35;
	v26 =	vld.idx.msk [tilespmem:v26+s15+$0x0], $0xffff  }
0xe3: {  	v30 =	vld.idx.msk [tilespmem:v34+s15+$0x0], $0xffff;
	v18 =	vmul.f32 $8.000000000e+00, v18  }
0xe4: {  	v23 =	vld.idx.msk [tilespmem:v23+s15+$0x0], $0xffff;
	v19 =	vmul.f32 $8.000000000e+00, v19  }
0xe5: {  	v22 =	vld.idx.msk [tilespmem:v22+s15+$0x0], $0xffff;
	[tilespmem:v33+s26+$0x0] =	vst.idx.msk $0xffff, v18;
	v18 =	vmul.f32 $8.000000000e+00, v28  }
0xe6: {  	v17 =	vmul.f32 $8.000000000e+00, v17;
	[tilespmem:v32+s26+$0x0] =	vst.idx.msk $0xffff, v19  }
0xe7: {  	[tilespmem:v63+s26+$0x0] =	vst.idx.msk $0xffff, v18;
	v18 =	vmul.f32 $8.000000000e+00, v26  }
0xe8: {  	[tilespmem:v24+s26+$0x0] =	vst.idx.msk $0xffff, v17;
	v17 =	vmul.f32 $8.000000000e+00, v30  }
.Ltmp7:
0xe9: {  	[tilespmem:v27+s26+$0x0] =	vst.idx.msk $0xffff, v18;
	v18 =	vmul.f32 $8.000000000e+00, v23;
	(pc) =	sbr.rel @p1 .LBB2_12-.Ltmp7, $4  }
0xea: {  	[tilespmem:v21+s26+$0x0] =	vst.idx.msk $0xffff, v17;
	v17 =	vmul.f32 $8.000000000e+00, v22  }
0xeb: {  	[tilespmem:v25+s26+$0x0] =	vst.idx.msk $0xffff, v18  }
0xec: {  	s10 =	sadd.s32 s5, s7;
	[tilespmem:v20+s26+$0x0] =	vst.idx.msk $0xffff, v17  }
0xed: {  	[hbm4b:s10+s22] =	stream.strided.scatter [tilespmem:s26], [sflag:$0x6], $0x2000, s23, s22, $0x38;
	[tilespmem:$0x16400] =	vst v63  }
.Ltmp8:
0xee: {  	(pc) =	sbr.rel .LBB2_13-.Ltmp8, $4  }
0xef: {  	_ = 	snop  }
0xf0: {  	_ =	swait.ge [sflag:s28], $0x2000  }
0xf1: {  	[sflag:s28] =	ssyncset.done $0x0  }
0xf2: {  	[sflag:s28] =	ssyncadd.s32 $0xFFFFE000  }
.LBB2_12:
0xf3: {  	s10 =	sshrl.u32 s3, $0x2  }
.Ltmp9:
0xf4: {  	s10 =	sadd.s32 $0x280, s10;
	(pc) =	sbr.rel @p0 .LBB2_14-.Ltmp9, $4  }
0xf5: {  	[tilespmem:s15], [sflag:$0x2] =	stream.indirect.gather [hbm4b:s4+s11], $0x40, s10, s11, $0xb8;
	[tilespmem:$0x16400] =	vst v63  }
0xf6: {  	_ =	swait.ge [sflag:s28], $0x2000  }
0xf7: {  	[sflag:s28] =	ssyncset.done $0x0  }
0xf8: {  	[sflag:s28] =	ssyncadd.s32 $0xFFFFE000  }
.LBB2_13:
0xf9: {  	_ =	swait.ge [sflag:s29], $0x2000  }
0xfa: {  	[sflag:s29] =	ssyncset.done $0x0  }
0xfb: {  	[sflag:s29] =	ssyncadd.s32 $0xFFFFE000  }
.LBB2_14:
0xfc: {  	s10 =	simm.s32 $0x0  }
0xfd: {  	s12 =	sand.u32 $0xE, s10  }
0xfe: {  	v18 =	vadd.s32 s12, v0;
	s12 =	sor.u32 $0x1, s12  }
0xff: {  	s13 =	sand.u32 $0x30, s10;
	v17 =	vand.u32 $0xF, v18;
	v20 =	vadd.s32 s12, v0  }
0x100: {  	v23 =	vand.u32 $0x7, v18;
	v17 =	vor.u32 s13, v17;
	v19 =	vand.u32 $0xF, v20  }
0x101: {  	v21 =	vand.u32 $0x7, v20;
	v20 =	vshll.u32 v20, $0x7;
	v22 =	vand.u32 $0x38, v17  }
0x102: {  	v24 =	vor.u32 s13, v19;
	v17 =	vshll.u32 v17, $0x7;
	v61 =	vand.u32 $0x380, v20  }
0x103: {  	v39 =	vor.u32 v15, v20;
	v44 =	vor.u32 v16, v20;
	v48 =	vor.u32 v11, v20  }
0x104: {  	v50 =	vor.u32 v9, v20;
	v19 =	vor.u32 v23, v22;
	v22 =	vand.u32 $0x38, v24  }
0x105: {  	v26 =	vand.u32 $0x1C00, v17;
	v45 =	vand.u32 $0x3E8, v39;
	v44 =	vand.u32 $0x3F8, v44  }
0x106: {  	v63 =	vand.u32 $0x398, v50;
	v23 =	vor.u32 v1, v19;
	v25 =	vor.u32 v2, v19  }
0x107: {  	v27 =	vor.u32 v4, v19;
	v32 =	vor.u32 v5, v19;
	v17 =	vor.u32 v21, v22  }
0x108: {  	v21 =	vshll.u32 v18, $0x7;
	v33 =	vor.u32 v6, v19;
	v34 =	vor.u32 v7, v19  }
0x109: {  	v35 =	vor.u32 v3, v19;
	v37 =	vor.u32 v8, v19;
	v28 =	vor.u32 v10, v26  }
0x10a: {  	v18 =	vor.u32 v16, v21;
	v22 =	vand.u32 $0x380, v21;
	v30 =	vor.u32 v14, v21  }
0x10b: {  	v29 =	vor.u32 v9, v21;
	v31 =	vor.u32 v12, v21;
	v19 =	vor.u32 v15, v21  }
0x10c: {  	v36 =	vor.u32 v13, v21;
	v21 =	vor.u32 v11, v21;
	v19 =	vand.u32 $0x3E8, v19  }
0x10d: {  	v18 =	vand.u32 $0x3F8, v18;
	v29 =	vand.u32 $0x398, v29;
	v21 =	vand.u32 $0x3A8, v21  }
0x10e: {  	v38 =	vand.u32 $0x3B8, v31;
	v59 =	vor.u32 v26, v22;
	v22 =	vand.u32 $0x3D8, v30  }
0x10f: {  	v26 =	vor.u32 v14, v20;
	v31 =	vor.u32 v21, v28;
	v21 =	vand.u32 $0x3C8, v36  }
0x110: {  	v30 =	vor.u32 v21, v28;
	v21 =	vshll.u32 v24, $0x7;
	v24 =	vor.u32 v13, v20  }
0x111: {  	v19 =	vor.u32 v19, v28;
	v18 =	vor.u32 v18, v28;
	v43 =	vand.u32 $0x3C8, v24;
	v24 =	vld.idx.msk [tilespmem:v32+s17+$0x0], $0xffff  }
0x112: {  	v42 =	vor.u32 v29, v28;
	v29 =	vor.u32 v38, v28;
	v60 =	vand.u32 $0x3D8, v26;
	v41 =	vld.idx.msk [tilespmem:v23+s17+$0x0], $0xffff  }
0x113: {  	v26 =	vor.u32 v5, v17;
	v28 =	vor.u32 v22, v28;
	v22 =	vor.u32 v12, v20;
	v25 =	vld.idx.msk [tilespmem:v25+s17+$0x0], $0xffff  }
0x114: {  	v47 =	vor.u32 v0, v59;
	v40 =	vand.u32 $0x3B8, v22;
	v46 =	vld.idx.msk [tilespmem:v35+s17+$0x0], $0xffff;
	v21 =	vand.u32 $0x1C00, v21  }
0x115: {  	v23 =	vor.u32 v7, v17;
	v22 =	vor.u32 v8, v17;
	v49 =	vld.idx.msk [tilespmem:v27+s17+$0x0], $0xffff;
	v35 =	vor.u32 v10, v21  }
0x116: {  	v38 =	vld.idx.msk [tilespmem:v34+s17+$0x0], $0xffff;
	v34 =	vor.u32 v6, v17;
	v27 =	vor.u32 v21, v61;
	v21 =	vor.u32 v60, v35  }
0x117: {  	v39 =	vld.idx.msk [tilespmem:v33+s17+$0x0], $0xffff;
	v20 =	vor.u32 v44, v35;
	v32 =	vor.u32 v63, v35;
	v62 =	vmul.f32 $8.000000000e+00, v41  }
0x118: {  	v33 =	vor.u32 v0, v27;
	v27 =	vor.u32 v43, v35;
	v25 =	vmul.f32 $8.000000000e+00, v25  }
0x119: {  	v37 =	vld.idx.msk [tilespmem:v37+s17+$0x0], $0xffff;
	v36 =	vmul.f32 $8.000000000e+00, v24;
	v24 =	vor.u32 v40, v35;
	v41 =	vmul.f32 $8.000000000e+00, v46;
	[tilespmem:v47+s30+$0x0] =	vst.idx.msk $0xffff, v62  }
0x11a: {  	v40 =	vand.u32 $0x3A8, v48;
	[tilespmem:v42+s30+$0x0] =	vst.idx.msk $0xffff, v25;
	v42 =	vmul.f32 $8.000000000e+00, v49;
	v25 =	vor.u32 v45, v35  }
.LBB2_15:
0x11b: {  	s10 =	sadd.s32 $0x2, s10;
	[tilespmem:v31+s30+$0x0] =	vst.idx.msk $0xffff, v41;
	v31 =	vor.u32 v4, v17;
	v35 =	vor.u32 v40, v35  }
0x11c: {  	v40 =	vor.u32 v3, v17;
	s12 =	sand.u32 $0xE, s10;
	p2 =	slt.u32 s10, $0x3E;
	[tilespmem:v29+s30+$0x0] =	vst.idx.msk $0xffff, v42;
	v29 =	vmul.f32 $8.000000000e+00, v39;
	v39 =	vor.u32 v1, v17  }
0x11d: {  	v17 =	vor.u32 v2, v17;
	v41 =	vadd.s32 s12, v0;
	s12 =	sor.u32 $0x1, s12;
	[tilespmem:v30+s30+$0x0] =	vst.idx.msk $0xffff, v36;
	v30 =	vmul.f32 $8.000000000e+00, v38  }
0x11e: {  	s13 =	sand.u32 $0x30, s10;
	v36 =	vand.u32 $0xF, v41;
	v38 =	vadd.s32 s12, v0;
	[tilespmem:v28+s30+$0x0] =	vst.idx.msk $0xffff, v29;
	v28 =	vmul.f32 $8.000000000e+00, v37  }
0x11f: {  	v29 =	vor.u32 s13, v36;
	v36 =	vand.u32 $0xF, v38;
	v37 =	vand.u32 $0x7, v38;
	[tilespmem:v19+s30+$0x0] =	vst.idx.msk $0xffff, v30  }
0x120: {  	v30 =	vand.u32 $0x7, v41;
	v19 =	vand.u32 $0x38, v29;
	v36 =	vor.u32 s13, v36;
	[tilespmem:v18+s30+$0x0] =	vst.idx.msk $0xffff, v28  }
0x121: {  	v18 =	vor.u32 v30, v19;
	v19 =	vshll.u32 v29, $0x7;
	v28 =	vand.u32 $0x38, v36;
	v29 =	vld.idx.msk [tilespmem:v39+s17+$0x0], $0xffff  }
0x122: {  	v39 =	vor.u32 v1, v18;
	v42 =	vor.u32 v2, v18;
	v30 =	vand.u32 $0x1C00, v19;
	v19 =	vld.idx.msk [tilespmem:v17+s17+$0x0], $0xffff  }
0x123: {  	v43 =	vor.u32 v4, v18;
	v44 =	vor.u32 v5, v18;
	v17 =	vor.u32 v37, v28;
	v28 =	vld.idx.msk [tilespmem:v40+s17+$0x0], $0xffff  }
0x124: {  	v37 =	vshll.u32 v41, $0x7;
	v41 =	vor.u32 v7, v18;
	v40 =	vor.u32 v6, v18;
	v31 =	vld.idx.msk [tilespmem:v31+s17+$0x0], $0xffff  }
0x125: {  	v45 =	vor.u32 v3, v18;
	v46 =	vor.u32 v8, v18;
	v18 =	vor.u32 v16, v37;
	v26 =	vld.idx.msk [tilespmem:v26+s17+$0x0], $0xffff  }
0x126: {  	v47 =	vand.u32 $0x380, v37;
	v48 =	vor.u32 v10, v30;
	v49 =	vor.u32 v14, v37;
	v34 =	vld.idx.msk [tilespmem:v34+s17+$0x0], $0xffff  }
0x127: {  	v50 =	vor.u32 v9, v37;
	v51 =	vor.u32 v12, v37;
	v29 =	vmul.f32 $8.000000000e+00, v29;
	v23 =	vld.idx.msk [tilespmem:v23+s17+$0x0], $0xffff  }
0x128: {  	v52 =	vor.u32 v13, v37;
	v53 =	vor.u32 v15, v37;
	v54 =	vmul.f32 $8.000000000e+00, v19;
	v22 =	vld.idx.msk [tilespmem:v22+s17+$0x0], $0xffff  }
0x129: {  	v18 =	vand.u32 $0x3F8, v18;
	v19 =	vand.u32 $0x3E8, v53;
	v28 =	vmul.f32 $8.000000000e+00, v28;
	[tilespmem:v33+s30+$0x0] =	vst.idx.msk $0xffff, v29  }
0x12a: {  	v18 =	vor.u32 v18, v48;
	v19 =	vor.u32 v19, v48;
	v29 =	vmul.f32 $8.000000000e+00, v31;
	[tilespmem:v32+s30+$0x0] =	vst.idx.msk $0xffff, v54  }
0x12b: {  	v31 =	vand.u32 $0x398, v50;
	v32 =	vor.u32 v11, v37;
	v26 =	vmul.f32 $8.000000000e+00, v26;
	[tilespmem:v35+s30+$0x0] =	vst.idx.msk $0xffff, v28  }
0x12c: {  	v50 =	vor.u32 v31, v48;
	v28 =	vand.u32 $0x3A8, v32;
	[tilespmem:v24+s30+$0x0] =	vst.idx.msk $0xffff, v29;
	v24 =	vmul.f32 $8.000000000e+00, v34  }
0x12d: {  	v31 =	vor.u32 v28, v48;
	v28 =	vand.u32 $0x3B8, v51;
	v23 =	vmul.f32 $8.000000000e+00, v23;
	[tilespmem:v27+s30+$0x0] =	vst.idx.msk $0xffff, v26  }
0x12e: {  	v29 =	vor.u32 v28, v48;
	v26 =	vand.u32 $0x3C8, v52;
	[tilespmem:v21+s30+$0x0] =	vst.idx.msk $0xffff, v24;
	v21 =	vmul.f32 $8.000000000e+00, v22  }
0x12f: {  	v24 =	vor.u32 v30, v47;
	v30 =	vor.u32 v26, v48;
	v22 =	vand.u32 $0x3D8, v49;
	[tilespmem:v25+s30+$0x0] =	vst.idx.msk $0xffff, v23  }
0x130: {  	v27 =	vshll.u32 v36, $0x7;
	v28 =	vor.u32 v22, v48;
	v25 =	vshll.u32 v38, $0x7;
	[tilespmem:v20+s30+$0x0] =	vst.idx.msk $0xffff, v21  }
0x131: {  	v20 =	vor.u32 v12, v25;
	v21 =	vor.u32 v13, v25;
	v22 =	vor.u32 v14, v25;
	v34 =	vld.idx.msk [tilespmem:v43+s17+$0x0], $0xffff  }
0x132: {  	v33 =	vand.u32 $0x3B8, v20;
	v43 =	vand.u32 $0x3C8, v21;
	v20 =	vand.u32 $0x3D8, v22;
	v32 =	vld.idx.msk [tilespmem:v44+s17+$0x0], $0xffff  }
0x133: {  	v35 =	vor.u32 v15, v25;
	v36 =	vor.u32 v16, v25;
	v21 =	vand.u32 $0x380, v25;
	v37 =	vld.idx.msk [tilespmem:v39+s17+$0x0], $0xffff  }
0x134: {  	v23 =	vor.u32 v7, v17;
	v22 =	vor.u32 v8, v17;
	v42 =	vld.idx.msk [tilespmem:v42+s17+$0x0], $0xffff  }
0x135: {  	v26 =	vor.u32 v5, v17;
	v38 =	vand.u32 $0x3F8, v36;
	v44 =	vld.idx.msk [tilespmem:v45+s17+$0x0], $0xffff;
	v45 =	vand.u32 $0x3E8, v35  }
0x136: {  	v47 =	vor.u32 v0, v24;
	v24 =	vand.u32 $0x1C00, v27;
	v27 =	vor.u32 v11, v25  }
0x137: {  	v25 =	vor.u32 v9, v25;
	v48 =	vor.u32 v24, v21;
	v35 =	vor.u32 v10, v24  }
.Ltmp10:
0x138: {  	v21 =	vor.u32 v20, v35;
	v20 =	vor.u32 v38, v35;
	v36 =	vmul.f32 $8.000000000e+00, v32;
	v39 =	vld.idx.msk [tilespmem:v40+s17+$0x0], $0xffff;
	(pc) =	sbr.rel @p2 .LBB2_15-.Ltmp10, $4  }
0x139: {  	v25 =	vand.u32 $0x398, v25;
	v24 =	vor.u32 v33, v35;
	v38 =	vld.idx.msk [tilespmem:v41+s17+$0x0], $0xffff;
	v41 =	vmul.f32 $8.000000000e+00, v37  }
0x13a: {  	v32 =	vor.u32 v25, v35;
	v40 =	vand.u32 $0x3A8, v27;
	v42 =	vmul.f32 $8.000000000e+00, v42;
	v37 =	vld.idx.msk [tilespmem:v46+s17+$0x0], $0xffff  }
0x13b: {  	v33 =	vor.u32 v0, v48;
	v27 =	vor.u32 v43, v35;
	[tilespmem:v47+s30+$0x0] =	vst.idx.msk $0xffff, v41;
	v41 =	vmul.f32 $8.000000000e+00, v44  }
0x13c: {  	v25 =	vor.u32 v45, v35;
	[tilespmem:v50+s30+$0x0] =	vst.idx.msk $0xffff, v42;
	v42 =	vmul.f32 $8.000000000e+00, v34;
	v34 =	vor.u32 v6, v17  }
0x13d: {  	_ =	sdelay $0x3  }
0x13e: {  	[tilespmem:v31+s30+$0x0] =	vst.idx.msk $0xffff, v41  }
0x13f: {  	v57 =	vmul.f32 $8.000000000e+00, v39;
	v58 =	vor.u32 v1, v17;
	[tilespmem:v29+s30+$0x0] =	vst.idx.msk $0xffff, v42  }
0x140: {  	v60 =	vor.u32 v2, v17;
	v59 =	vmul.f32 $8.000000000e+00, v38;
	[tilespmem:v30+s30+$0x0] =	vst.idx.msk $0xffff, v36  }
0x141: {  	v61 =	vor.u32 v3, v17;
	v62 =	vmul.f32 $8.000000000e+00, v37;
	[tilespmem:v28+s30+$0x0] =	vst.idx.msk $0xffff, v57  }
0x142: {  	v17 =	vor.u32 v4, v17;
	[tilespmem:v19+s30+$0x0] =	vst.idx.msk $0xffff, v59  }
0x143: {  	[tilespmem:v18+s30+$0x0] =	vst.idx.msk $0xffff, v62  }
0x144: {  	v18 =	vld.idx.msk [tilespmem:v58+s17+$0x0], $0xffff  }
0x145: {  	v19 =	vld.idx.msk [tilespmem:v60+s17+$0x0], $0xffff  }
0x146: {  	v28 =	vld.idx.msk [tilespmem:v61+s17+$0x0], $0xffff  }
0x147: {  	v17 =	vld.idx.msk [tilespmem:v17+s17+$0x0], $0xffff  }
0x148: {  	v63 =	vor.u32 v40, v35;
	v26 =	vld.idx.msk [tilespmem:v26+s17+$0x0], $0xffff  }
0x149: {  	v30 =	vld.idx.msk [tilespmem:v34+s17+$0x0], $0xffff;
	v18 =	vmul.f32 $8.000000000e+00, v18  }
0x14a: {  	v23 =	vld.idx.msk [tilespmem:v23+s17+$0x0], $0xffff;
	v19 =	vmul.f32 $8.000000000e+00, v19  }
0x14b: {  	v22 =	vld.idx.msk [tilespmem:v22+s17+$0x0], $0xffff;
	[tilespmem:v33+s30+$0x0] =	vst.idx.msk $0xffff, v18;
	v18 =	vmul.f32 $8.000000000e+00, v28  }
0x14c: {  	v17 =	vmul.f32 $8.000000000e+00, v17;
	[tilespmem:v32+s30+$0x0] =	vst.idx.msk $0xffff, v19  }
0x14d: {  	[tilespmem:v63+s30+$0x0] =	vst.idx.msk $0xffff, v18;
	v18 =	vmul.f32 $8.000000000e+00, v26  }
0x14e: {  	[tilespmem:v24+s30+$0x0] =	vst.idx.msk $0xffff, v17;
	v17 =	vmul.f32 $8.000000000e+00, v30  }
.Ltmp11:
0x14f: {  	[tilespmem:v27+s30+$0x0] =	vst.idx.msk $0xffff, v18;
	v18 =	vmul.f32 $8.000000000e+00, v23;
	(pc) =	sbr.rel @p1 .LBB2_18-.Ltmp11, $4  }
0x150: {  	[tilespmem:v21+s30+$0x0] =	vst.idx.msk $0xffff, v17;
	v17 =	vmul.f32 $8.000000000e+00, v22  }
0x151: {  	[tilespmem:v25+s30+$0x0] =	vst.idx.msk $0xffff, v18  }
0x152: {  	s10 =	sadd.s32 s5, s8;
	[tilespmem:v20+s30+$0x0] =	vst.idx.msk $0xffff, v17  }
0x153: {  	[hbm4b:s10+s22] =	stream.strided.scatter [tilespmem:s30], [sflag:$0x7], $0x2000, s23, s22, $0x38;
	[tilespmem:$0x16400] =	vst v63  }
.Ltmp12:
0x154: {  	(pc) =	sbr.rel .LBB2_19-.Ltmp12, $4  }
0x155: {  	_ = 	snop  }
0x156: {  	_ =	swait.ge [sflag:s31], $0x2000  }
0x157: {  	[sflag:s31] =	ssyncset.done $0x0  }
0x158: {  	[sflag:s31] =	ssyncadd.s32 $0xFFFFE000  }
.LBB2_18:
0x159: {  	s10 =	sshrl.u32 s3, $0x2  }
.Ltmp13:
0x15a: {  	s10 =	sadd.s32 $0x300, s10;
	(pc) =	sbr.rel @p0 .LBB2_20-.Ltmp13, $4  }
0x15b: {  	[tilespmem:s17], [sflag:$0x3] =	stream.indirect.gather [hbm4b:s4+s11], $0x40, s10, s11, $0xb8;
	[tilespmem:$0x16400] =	vst v63  }
0x15c: {  	_ =	swait.ge [sflag:s31], $0x2000  }
0x15d: {  	[sflag:s31] =	ssyncset.done $0x0  }
0x15e: {  	[sflag:s31] =	ssyncadd.s32 $0xFFFFE000  }
.LBB2_19:
0x15f: {  	_ =	swait.ge [sflag:s0], $0x2000  }
0x160: {  	[sflag:s0] =	ssyncset.done $0x0  }
0x161: {  	[sflag:s0] =	ssyncadd.s32 $0xFFFFE000  }
.LBB2_20:
0x162: {  	s10 =	simm.s32 $0x0  }
0x163: {  	s12 =	sand.u32 $0xE, s10  }
0x164: {  	v18 =	vadd.s32 s12, v0;
	s12 =	sor.u32 $0x1, s12  }
0x165: {  	s13 =	sand.u32 $0x30, s10;
	v17 =	vand.u32 $0xF, v18;
	v20 =	vadd.s32 s12, v0  }
0x166: {  	v23 =	vand.u32 $0x7, v18;
	v17 =	vor.u32 s13, v17;
	v19 =	vand.u32 $0xF, v20  }
0x167: {  	v21 =	vand.u32 $0x7, v20;
	v20 =	vshll.u32 v20, $0x7;
	v22 =	vand.u32 $0x38, v17  }
0x168: {  	v24 =	vor.u32 s13, v19;
	v17 =	vshll.u32 v17, $0x7;
	v61 =	vand.u32 $0x380, v20  }
0x169: {  	v39 =	vor.u32 v15, v20;
	v44 =	vor.u32 v16, v20;
	v48 =	vor.u32 v11, v20  }
0x16a: {  	v50 =	vor.u32 v9, v20;
	v19 =	vor.u32 v23, v22;
	v22 =	vand.u32 $0x38, v24  }
0x16b: {  	v26 =	vand.u32 $0x1C00, v17;
	v45 =	vand.u32 $0x3E8, v39;
	v44 =	vand.u32 $0x3F8, v44  }
0x16c: {  	v63 =	vand.u32 $0x398, v50;
	v23 =	vor.u32 v1, v19;
	v25 =	vor.u32 v2, v19  }
0x16d: {  	v27 =	vor.u32 v4, v19;
	v32 =	vor.u32 v5, v19;
	v17 =	vor.u32 v21, v22  }
0x16e: {  	v21 =	vshll.u32 v18, $0x7;
	v33 =	vor.u32 v6, v19;
	v34 =	vor.u32 v7, v19  }
0x16f: {  	v35 =	vor.u32 v3, v19;
	v37 =	vor.u32 v8, v19;
	v28 =	vor.u32 v10, v26  }
0x170: {  	v18 =	vor.u32 v16, v21;
	v22 =	vand.u32 $0x380, v21;
	v30 =	vor.u32 v14, v21  }
0x171: {  	v29 =	vor.u32 v9, v21;
	v31 =	vor.u32 v12, v21;
	v19 =	vor.u32 v15, v21  }
0x172: {  	v36 =	vor.u32 v13, v21;
	v21 =	vor.u32 v11, v21;
	v19 =	vand.u32 $0x3E8, v19  }
0x173: {  	v18 =	vand.u32 $0x3F8, v18;
	v29 =	vand.u32 $0x398, v29;
	v21 =	vand.u32 $0x3A8, v21  }
0x174: {  	v38 =	vand.u32 $0x3B8, v31;
	v59 =	vor.u32 v26, v22;
	v22 =	vand.u32 $0x3D8, v30  }
0x175: {  	v26 =	vor.u32 v14, v20;
	v31 =	vor.u32 v21, v28;
	v21 =	vand.u32 $0x3C8, v36  }
0x176: {  	v30 =	vor.u32 v21, v28;
	v21 =	vshll.u32 v24, $0x7;
	v24 =	vor.u32 v13, v20  }
0x177: {  	v19 =	vor.u32 v19, v28;
	v18 =	vor.u32 v18, v28;
	v43 =	vand.u32 $0x3C8, v24;
	v24 =	vld.idx.msk [tilespmem:v32+s19+$0x0], $0xffff  }
0x178: {  	v42 =	vor.u32 v29, v28;
	v29 =	vor.u32 v38, v28;
	v60 =	vand.u32 $0x3D8, v26;
	v41 =	vld.idx.msk [tilespmem:v23+s19+$0x0], $0xffff  }
0x179: {  	v26 =	vor.u32 v5, v17;
	v28 =	vor.u32 v22, v28;
	v22 =	vor.u32 v12, v20;
	v25 =	vld.idx.msk [tilespmem:v25+s19+$0x0], $0xffff  }
0x17a: {  	v47 =	vor.u32 v0, v59;
	v40 =	vand.u32 $0x3B8, v22;
	v46 =	vld.idx.msk [tilespmem:v35+s19+$0x0], $0xffff;
	v21 =	vand.u32 $0x1C00, v21  }
0x17b: {  	v23 =	vor.u32 v7, v17;
	v22 =	vor.u32 v8, v17;
	v49 =	vld.idx.msk [tilespmem:v27+s19+$0x0], $0xffff;
	v35 =	vor.u32 v10, v21  }
0x17c: {  	v38 =	vld.idx.msk [tilespmem:v34+s19+$0x0], $0xffff;
	v34 =	vor.u32 v6, v17;
	v27 =	vor.u32 v21, v61;
	v21 =	vor.u32 v60, v35  }
0x17d: {  	v39 =	vld.idx.msk [tilespmem:v33+s19+$0x0], $0xffff;
	v20 =	vor.u32 v44, v35;
	v32 =	vor.u32 v63, v35;
	v62 =	vmul.f32 $8.000000000e+00, v41  }
0x17e: {  	v33 =	vor.u32 v0, v27;
	v27 =	vor.u32 v43, v35;
	v25 =	vmul.f32 $8.000000000e+00, v25  }
0x17f: {  	v37 =	vld.idx.msk [tilespmem:v37+s19+$0x0], $0xffff;
	v36 =	vmul.f32 $8.000000000e+00, v24;
	v24 =	vor.u32 v40, v35;
	v41 =	vmul.f32 $8.000000000e+00, v46;
	[tilespmem:v47+s1+$0x0] =	vst.idx.msk $0xffff, v62  }
0x180: {  	v40 =	vand.u32 $0x3A8, v48;
	[tilespmem:v42+s1+$0x0] =	vst.idx.msk $0xffff, v25;
	v42 =	vmul.f32 $8.000000000e+00, v49;
	v25 =	vor.u32 v45, v35  }
.LBB2_21:
0x181: {  	s10 =	sadd.s32 $0x2, s10;
	[tilespmem:v31+s1+$0x0] =	vst.idx.msk $0xffff, v41;
	v31 =	vor.u32 v4, v17;
	v35 =	vor.u32 v40, v35  }
0x182: {  	v40 =	vor.u32 v3, v17;
	s12 =	sand.u32 $0xE, s10;
	p0 =	slt.u32 s10, $0x3E;
	[tilespmem:v29+s1+$0x0] =	vst.idx.msk $0xffff, v42;
	v29 =	vmul.f32 $8.000000000e+00, v39;
	v39 =	vor.u32 v1, v17  }
0x183: {  	v17 =	vor.u32 v2, v17;
	v41 =	vadd.s32 s12, v0;
	s12 =	sor.u32 $0x1, s12;
	[tilespmem:v30+s1+$0x0] =	vst.idx.msk $0xffff, v36;
	v30 =	vmul.f32 $8.000000000e+00, v38  }
0x184: {  	s13 =	sand.u32 $0x30, s10;
	v36 =	vand.u32 $0xF, v41;
	v38 =	vadd.s32 s12, v0;
	[tilespmem:v28+s1+$0x0] =	vst.idx.msk $0xffff, v29;
	v28 =	vmul.f32 $8.000000000e+00, v37  }
0x185: {  	v29 =	vor.u32 s13, v36;
	v36 =	vand.u32 $0xF, v38;
	v37 =	vand.u32 $0x7, v38;
	[tilespmem:v19+s1+$0x0] =	vst.idx.msk $0xffff, v30  }
0x186: {  	v30 =	vand.u32 $0x7, v41;
	v19 =	vand.u32 $0x38, v29;
	v36 =	vor.u32 s13, v36;
	[tilespmem:v18+s1+$0x0] =	vst.idx.msk $0xffff, v28  }
0x187: {  	v18 =	vor.u32 v30, v19;
	v19 =	vshll.u32 v29, $0x7;
	v28 =	vand.u32 $0x38, v36;
	v29 =	vld.idx.msk [tilespmem:v39+s19+$0x0], $0xffff  }
0x188: {  	v39 =	vor.u32 v1, v18;
	v42 =	vor.u32 v2, v18;
	v30 =	vand.u32 $0x1C00, v19;
	v19 =	vld.idx.msk [tilespmem:v17+s19+$0x0], $0xffff  }
0x189: {  	v43 =	vor.u32 v4, v18;
	v44 =	vor.u32 v5, v18;
	v17 =	vor.u32 v37, v28;
	v28 =	vld.idx.msk [tilespmem:v40+s19+$0x0], $0xffff  }
0x18a: {  	v37 =	vshll.u32 v41, $0x7;
	v41 =	vor.u32 v7, v18;
	v40 =	vor.u32 v6, v18;
	v31 =	vld.idx.msk [tilespmem:v31+s19+$0x0], $0xffff  }
0x18b: {  	v45 =	vor.u32 v3, v18;
	v46 =	vor.u32 v8, v18;
	v18 =	vor.u32 v16, v37;
	v26 =	vld.idx.msk [tilespmem:v26+s19+$0x0], $0xffff  }
0x18c: {  	v47 =	vand.u32 $0x380, v37;
	v48 =	vor.u32 v10, v30;
	v49 =	vor.u32 v14, v37;
	v34 =	vld.idx.msk [tilespmem:v34+s19+$0x0], $0xffff  }
0x18d: {  	v50 =	vor.u32 v9, v37;
	v51 =	vor.u32 v12, v37;
	v29 =	vmul.f32 $8.000000000e+00, v29;
	v23 =	vld.idx.msk [tilespmem:v23+s19+$0x0], $0xffff  }
0x18e: {  	v52 =	vor.u32 v13, v37;
	v53 =	vor.u32 v15, v37;
	v54 =	vmul.f32 $8.000000000e+00, v19;
	v22 =	vld.idx.msk [tilespmem:v22+s19+$0x0], $0xffff  }
0x18f: {  	v18 =	vand.u32 $0x3F8, v18;
	v19 =	vand.u32 $0x3E8, v53;
	v28 =	vmul.f32 $8.000000000e+00, v28;
	[tilespmem:v33+s1+$0x0] =	vst.idx.msk $0xffff, v29  }
0x190: {  	v18 =	vor.u32 v18, v48;
	v19 =	vor.u32 v19, v48;
	v29 =	vmul.f32 $8.000000000e+00, v31;
	[tilespmem:v32+s1+$0x0] =	vst.idx.msk $0xffff, v54  }
0x191: {  	v31 =	vand.u32 $0x398, v50;
	v32 =	vor.u32 v11, v37;
	v26 =	vmul.f32 $8.000000000e+00, v26;
	[tilespmem:v35+s1+$0x0] =	vst.idx.msk $0xffff, v28  }
0x192: {  	v50 =	vor.u32 v31, v48;
	v28 =	vand.u32 $0x3A8, v32;
	[tilespmem:v24+s1+$0x0] =	vst.idx.msk $0xffff, v29;
	v24 =	vmul.f32 $8.000000000e+00, v34  }
0x193: {  	v31 =	vor.u32 v28, v48;
	v28 =	vand.u32 $0x3B8, v51;
	v23 =	vmul.f32 $8.000000000e+00, v23;
	[tilespmem:v27+s1+$0x0] =	vst.idx.msk $0xffff, v26  }
0x194: {  	v29 =	vor.u32 v28, v48;
	v26 =	vand.u32 $0x3C8, v52;
	[tilespmem:v21+s1+$0x0] =	vst.idx.msk $0xffff, v24;
	v21 =	vmul.f32 $8.000000000e+00, v22  }
0x195: {  	v24 =	vor.u32 v30, v47;
	v30 =	vor.u32 v26, v48;
	v22 =	vand.u32 $0x3D8, v49;
	[tilespmem:v25+s1+$0x0] =	vst.idx.msk $0xffff, v23  }
0x196: {  	v27 =	vshll.u32 v36, $0x7;
	v28 =	vor.u32 v22, v48;
	v25 =	vshll.u32 v38, $0x7;
	[tilespmem:v20+s1+$0x0] =	vst.idx.msk $0xffff, v21  }
0x197: {  	v20 =	vor.u32 v12, v25;
	v21 =	vor.u32 v13, v25;
	v22 =	vor.u32 v14, v25;
	v34 =	vld.idx.msk [tilespmem:v43+s19+$0x0], $0xffff  }
0x198: {  	v33 =	vand.u32 $0x3B8, v20;
	v43 =	vand.u32 $0x3C8, v21;
	v20 =	vand.u32 $0x3D8, v22;
	v32 =	vld.idx.msk [tilespmem:v44+s19+$0x0], $0xffff  }
0x199: {  	v35 =	vor.u32 v15, v25;
	v36 =	vor.u32 v16, v25;
	v21 =	vand.u32 $0x380, v25;
	v37 =	vld.idx.msk [tilespmem:v39+s19+$0x0], $0xffff  }
0x19a: {  	v23 =	vor.u32 v7, v17;
	v22 =	vor.u32 v8, v17;
	v42 =	vld.idx.msk [tilespmem:v42+s19+$0x0], $0xffff  }
0x19b: {  	v26 =	vor.u32 v5, v17;
	v38 =	vand.u32 $0x3F8, v36;
	v44 =	vld.idx.msk [tilespmem:v45+s19+$0x0], $0xffff;
	v45 =	vand.u32 $0x3E8, v35  }
0x19c: {  	v47 =	vor.u32 v0, v24;
	v24 =	vand.u32 $0x1C00, v27;
	v27 =	vor.u32 v11, v25  }
0x19d: {  	v25 =	vor.u32 v9, v25;
	v48 =	vor.u32 v24, v21;
	v35 =	vor.u32 v10, v24  }
.Ltmp14:
0x19e: {  	v21 =	vor.u32 v20, v35;
	v20 =	vor.u32 v38, v35;
	v36 =	vmul.f32 $8.000000000e+00, v32;
	v39 =	vld.idx.msk [tilespmem:v40+s19+$0x0], $0xffff;
	(pc) =	sbr.rel @p0 .LBB2_21-.Ltmp14, $4  }
0x19f: {  	v25 =	vand.u32 $0x398, v25;
	v24 =	vor.u32 v33, v35;
	v38 =	vld.idx.msk [tilespmem:v41+s19+$0x0], $0xffff;
	v41 =	vmul.f32 $8.000000000e+00, v37  }
0x1a0: {  	v32 =	vor.u32 v25, v35;
	v40 =	vand.u32 $0x3A8, v27;
	v42 =	vmul.f32 $8.000000000e+00, v42;
	v37 =	vld.idx.msk [tilespmem:v46+s19+$0x0], $0xffff  }
0x1a1: {  	v33 =	vor.u32 v0, v48;
	v27 =	vor.u32 v43, v35;
	[tilespmem:v47+s1+$0x0] =	vst.idx.msk $0xffff, v41;
	v41 =	vmul.f32 $8.000000000e+00, v44  }
0x1a2: {  	v25 =	vor.u32 v45, v35;
	[tilespmem:v50+s1+$0x0] =	vst.idx.msk $0xffff, v42;
	v42 =	vmul.f32 $8.000000000e+00, v34;
	v34 =	vor.u32 v6, v17  }
0x1a3: {  	_ =	sdelay $0x3  }
0x1a4: {  	[tilespmem:v31+s1+$0x0] =	vst.idx.msk $0xffff, v41  }
0x1a5: {  	v57 =	vmul.f32 $8.000000000e+00, v39;
	v58 =	vor.u32 v1, v17;
	[tilespmem:v29+s1+$0x0] =	vst.idx.msk $0xffff, v42  }
0x1a6: {  	v60 =	vor.u32 v2, v17;
	v59 =	vmul.f32 $8.000000000e+00, v38;
	[tilespmem:v30+s1+$0x0] =	vst.idx.msk $0xffff, v36  }
0x1a7: {  	v61 =	vor.u32 v3, v17;
	v62 =	vmul.f32 $8.000000000e+00, v37;
	[tilespmem:v28+s1+$0x0] =	vst.idx.msk $0xffff, v57  }
0x1a8: {  	v17 =	vor.u32 v4, v17;
	[tilespmem:v19+s1+$0x0] =	vst.idx.msk $0xffff, v59  }
0x1a9: {  	[tilespmem:v18+s1+$0x0] =	vst.idx.msk $0xffff, v62  }
0x1aa: {  	v18 =	vld.idx.msk [tilespmem:v58+s19+$0x0], $0xffff  }
0x1ab: {  	v19 =	vld.idx.msk [tilespmem:v60+s19+$0x0], $0xffff  }
0x1ac: {  	v28 =	vld.idx.msk [tilespmem:v61+s19+$0x0], $0xffff  }
0x1ad: {  	v17 =	vld.idx.msk [tilespmem:v17+s19+$0x0], $0xffff  }
0x1ae: {  	v63 =	vor.u32 v40, v35;
	v26 =	vld.idx.msk [tilespmem:v26+s19+$0x0], $0xffff  }
0x1af: {  	v30 =	vld.idx.msk [tilespmem:v34+s19+$0x0], $0xffff;
	v18 =	vmul.f32 $8.000000000e+00, v18  }
0x1b0: {  	v23 =	vld.idx.msk [tilespmem:v23+s19+$0x0], $0xffff;
	v19 =	vmul.f32 $8.000000000e+00, v19  }
0x1b1: {  	v22 =	vld.idx.msk [tilespmem:v22+s19+$0x0], $0xffff;
	[tilespmem:v33+s1+$0x0] =	vst.idx.msk $0xffff, v18;
	v18 =	vmul.f32 $8.000000000e+00, v28  }
0x1b2: {  	v17 =	vmul.f32 $8.000000000e+00, v17;
	[tilespmem:v32+s1+$0x0] =	vst.idx.msk $0xffff, v19  }
0x1b3: {  	[tilespmem:v63+s1+$0x0] =	vst.idx.msk $0xffff, v18;
	v18 =	vmul.f32 $8.000000000e+00, v26  }
0x1b4: {  	p0 =	seq.s32 s18, $0x31;
	[tilespmem:v24+s1+$0x0] =	vst.idx.msk $0xffff, v17;
	v17 =	vmul.f32 $8.000000000e+00, v30  }
.Ltmp15:
0x1b5: {  	[tilespmem:v27+s1+$0x0] =	vst.idx.msk $0xffff, v18;
	v18 =	vmul.f32 $8.000000000e+00, v23;
	(pc) =	sbr.rel @p0 .LBB2_24-.Ltmp15, $4  }
0x1b6: {  	[tilespmem:v21+s1+$0x0] =	vst.idx.msk $0xffff, v17;
	v17 =	vmul.f32 $8.000000000e+00, v22  }
0x1b7: {  	[tilespmem:v25+s1+$0x0] =	vst.idx.msk $0xffff, v18  }
0x1b8: {  	s5 =	sadd.s32 s5, s9;
	[tilespmem:v20+s1+$0x0] =	vst.idx.msk $0xffff, v17  }
0x1b9: {  	[hbm4b:s5+s22] =	stream.strided.scatter [tilespmem:s1], [sflag:$0x8], $0x2000, s23, s22, $0x38;
	[tilespmem:$0x16400] =	vst v63  }
.Ltmp16:
0x1ba: {  	(pc) =	sbr.rel .LBB2_2-.Ltmp16, $4  }
0x1bb: {  	_ = 	snop  }
0x1bc: {  	s3 =	sshrl.u32 s3, $0x2  }
0x1bd: {  	s18 =	sadd.s32 $0x1, s18;
	s3 =	sadd.s32 $0x380, s3  }
0x1be: {  	[tilespmem:s19], [sflag:$0x4] =	stream.indirect.gather [hbm4b:s4+s11], $0x40, s3, s11, $0xb8;
	[tilespmem:$0x16400] =	vst v63  }
.LBB2_25:
0x1bf: {  	_ =	sfence.sel $0x180000  }
0x1c0: {  	[bflag:$0x0] =	sbarrier.arrive $0xFFFF  }
0x1c1: {  	_ =	strace $0x90000047  }
0x1c2: {  	s0 =	stileid.u32;
	[bflag:$0x2] =	sbarrier.arrive $0xFFFF  }
0x1c3: {  	p0 =	sne.s32 s0, $0x0;
	s0 =	rddreg [dreg:$0x2]  }
0x1c4: {  	s0 =	sadd.s32 @!p0 $0x100000, s0  }
0x1c5: {  	[sflag:s0] =	ssyncadd.tile.s32 @!p0 $0x1;
	_ =	shalt  }
.Lfunc_end2:
_tile_overlayer_lowered:
.L_overlay_start_2:
0x1c6: {  	(tag) =	ssettag $0x2  }
0x1c7: {  	s0 =	rddreg [dreg:$0x0];
	s2 =	stileid.u32  }
0x1c8: {  	s1 =	rddreg [dreg:$0x1];
	p0 =	sne.s32 s2, $0x0  }
0x1c9: {  	s3 =	rddreg [dreg:$0x2];
	[bflag:$0x3] =	sbarrier.arrive $0xFFFF;
	s2 =	simm.s32 @!p0 $0x1C0A  }
0x1ca: {  	[timem:s3], [sflag:s2] =	dma.local @!p0 [hbm:s0], s1  }
0x1cb: {  	s0 =	simm.s32 @!p0 $0xA  }
0x1cc: {  	_ =	swait.ge @!p0 [sflag:s0], s1  }
0x1cd: {  	s1 =	ssub.s32 @!p0 $0x0, s1;
	[sflag:s0] =	ssyncset.done @!p0 $0x0  }
0x1ce: {  	[sflag:s0] =	ssyncadd.s32 @!p0 s1  }
0x1cf: {  	[bflag:$0x3] =	sbarrier.arrive $0xFFFF  }
0x1d0: {  	_ =	shalt  }

</sc_bundles>
